<compile_context>
chip_gen: v7x
topology: tpu7x:2x2x1
jax: 0.10.2.dev20260603
libtpu: 0.0.44.dev20260713+nightly
codegen_flags: <defaults>
</compile_context>

<pallas_src>
import functools

import jax
import jax.numpy as jnp
from jax import lax
from jax.experimental import pallas as pl
from jax.experimental.pallas import tpu as pltpu
from jax.experimental.pallas import tpu_sc as plsc

B = 16384
D = 128
L = 16
NC, NS = 2, 16
NW = NC * NS
BPW = B // NW
CH = 128
NCH = BPW // CH


def _mf_body(ui_hbm, ii_hbm, ue_hbm, ie_hbm, ub_hbm, ib_hbm, gb_hbm,
             out_hbm,
             ui_v, ii_v, u_rows, i_rows, ub_v, ib_v, gb_v, out_v,
             sem_ui, sem_ii, sem_u, sem_i, sem_ub, sem_ib):
    wid = lax.axis_index("s") * NC + lax.axis_index("c")
    base = wid * BPW

    stage = (pltpu.make_async_copy(ui_hbm.at[wid], ui_v, sem_ui),
             pltpu.make_async_copy(ii_hbm.at[wid], ii_v, sem_ii),
             pltpu.make_async_copy(gb_hbm, gb_v, sem_ub))
    for cp in stage:
        cp.start()
    for cp in stage:
        cp.wait()
    lane = lax.iota(jnp.int32, L)
    zero16 = jnp.zeros((L,), jnp.int32)
    gbv = plsc.load_gather(gb_v, [zero16])
    last_lane = lane == (L - 1)

    def row_descs(c, buf):
        return (
            pltpu.make_async_copy(ue_hbm.at[ui_v.at[c]], u_rows.at[buf],
                                  sem_u),
            pltpu.make_async_copy(ie_hbm.at[ii_v.at[c]], i_rows.at[buf],
                                  sem_i),
        )

    def bias_descs(c, buf):
        return (
            pltpu.make_async_copy(ub_hbm.at[ui_v.at[c]], ub_v.at[buf],
                                  sem_ub),
            pltpu.make_async_copy(ib_hbm.at[ii_v.at[c]], ib_v.at[buf],
                                  sem_ib),
        )

    for cp in row_descs(0, 0) + bias_descs(0, 0):
        cp.start()

    @pl.loop(0, NCH)
    def _chunk(c):
        buf = lax.rem(c, 2)
        for cp in row_descs(c, buf):
            cp.wait()

        @pl.when(c < NCH - 1)
        def _start_next():
            for cp in row_descs(c + 1, 1 - buf) + bias_descs(c + 1, 1 - buf):
                cp.start()

        u_c = u_rows.at[buf]
        i_c = i_rows.at[buf]

        @plsc.parallel_loop(0, CH, unroll=4)
        def _row(r):
            parts = [u_c[r, pl.ds(j * L, L)] * i_c[r, pl.ds(j * L, L)]
                     for j in range(D // L)]
            s = ((parts[0] + parts[1]) + (parts[2] + parts[3])) + \
                ((parts[4] + parts[5]) + (parts[6] + parts[7]))
            cs = plsc.cumsum(s)
            plsc.store_compressed(out_v.at[pl.ds(c * CH + r, L)], cs,
                                  mask=last_lane)

        for cp in bias_descs(c, buf):
            cp.wait()

        @plsc.parallel_loop(0, CH // L)
        def _bias(g):
            pos = c * CH + g * L
            o = (out_v[pl.ds(pos, L)] + gbv
                 + ub_v[buf, pl.ds(g * L, L)] + ib_v[buf, pl.ds(g * L, L)])
            out_v[pl.ds(pos, L)] = o

    pltpu.sync_copy(out_v.at[pl.ds(0, BPW)], out_hbm.at[pl.ds(base, BPW)])


@functools.partial(jax.jit, static_argnums=())
def _mf_call(ui3, ii3, ue, ie, ub1, ib1, gb):
    mesh = plsc.VectorSubcoreMesh(core_axis_name="c", subcore_axis_name="s",
                                  num_cores=NC, num_subcores=NS)
    f = pl.kernel(
        _mf_body,
        out_type=jax.ShapeDtypeStruct((B,), jnp.float32),
        mesh=mesh,
        compiler_params=pltpu.CompilerParams(needs_layout_passes=False,
                                             disable_bounds_checks=True),
        scratch_types=[
            pltpu.VMEM((NCH, CH), jnp.int32),
            pltpu.VMEM((NCH, CH), jnp.int32),
            pltpu.VMEM((2, CH, D), jnp.float32),
            pltpu.VMEM((2, CH, D), jnp.float32),
            pltpu.VMEM((2, CH), jnp.float32),
            pltpu.VMEM((2, CH), jnp.float32),
            pltpu.VMEM((1,), jnp.float32),
            pltpu.VMEM((BPW + L,), jnp.float32),
            pltpu.SemaphoreType.DMA,
            pltpu.SemaphoreType.DMA,
            pltpu.SemaphoreType.DMA,
            pltpu.SemaphoreType.DMA,
            pltpu.SemaphoreType.DMA,
            pltpu.SemaphoreType.DMA,
        ],
        name="mf_kernel",
    )
    return f(ui3, ii3, ue, ie, ub1, ib1, gb)


def kernel(user_indices, item_indices, user_embedding, item_embedding,
           user_bias, item_bias, global_bias):
    ui3 = user_indices.reshape(NW, NCH, CH)
    ii3 = item_indices.reshape(NW, NCH, CH)
    ub1 = user_bias.reshape(-1)
    ib1 = item_bias.reshape(-1)
    return _mf_call(ui3, ii3, user_embedding, item_embedding, ub1, ib1,
                    global_bias)

# --- scband reference (transcript-rebuilt; emitter-appended) ---
"""Pipeline reference for scband-matrix-factorization-5162550689831 (READ-ONLY COPY).

The authoritative reference and input builder live on the scoring server;
editing this copy changes nothing except your own understanding.
"""

import jax, jax.numpy as jnp
import numpy as np

NUM_USERS = 100000
NUM_ITEMS = 100000
EMB_DIM = 128
BATCH = 16384


def setup_inputs(seed: int = 0) -> dict:
    key = jax.random.key(seed)
    k1, k2, k3, k4, k5, k6 = jax.random.split(key, 6)
    user_indices = jax.random.randint(k1, (BATCH,), 0, NUM_USERS, dtype=jnp.int64 if jax.config.jax_enable_x64 else jnp.int32).astype(jnp.int32)
    item_indices = jax.random.randint(k2, (BATCH,), 0, NUM_ITEMS, dtype=jnp.int64 if jax.config.jax_enable_x64 else jnp.int32).astype(jnp.int32)
    user_embedding = jax.random.normal(k3, (NUM_USERS, EMB_DIM), dtype=jnp.float32) * 0.01
    item_embedding = jax.random.normal(k4, (NUM_ITEMS, EMB_DIM), dtype=jnp.float32) * 0.01
    user_bias = jax.random.normal(k5, (NUM_USERS, 1), dtype=jnp.float32)
    item_bias = jax.random.normal(k6, (NUM_ITEMS, 1), dtype=jnp.float32)
    global_bias = jnp.zeros((1,), dtype=jnp.float32)
    return {
        "user_indices": user_indices,
        "item_indices": item_indices,
        "user_embedding": user_embedding,
        "item_embedding": item_embedding,
        "user_bias": user_bias,
        "item_bias": item_bias,
        "global_bias": global_bias,
    }


def reference(user_indices, item_indices, user_embedding, item_embedding, user_bias, item_bias, global_bias):
    user_embeds = jnp.take(user_embedding, user_indices, axis=0)
    item_embeds = jnp.take(item_embedding, item_indices, axis=0)
    dot = (user_embeds * item_embeds).sum(axis=1)
    bias = (jnp.take(user_bias, user_indices, axis=0).squeeze(-1)
            + jnp.take(item_bias, item_indices, axis=0).squeeze(-1)
            + global_bias)
    return dot + bias

if __name__ == "__main__":
    import jax
    _d = setup_inputs()
    print(jax.jit(kernel)(*tuple(_d.values())))

</pallas_src>

<mosaic_0001>
#map = affine_map<(d0, d1) -> (0, 0, 0)>
#map1 = affine_map<(d0, d1) -> (0, 0)>
#map2 = affine_map<(d0, d1) -> (0)>
module attributes {stable_mosaic.version = 14 : i64} {
  func.func @mf_kernel(%arg0: i32, %arg1: i32, %arg2: memref<32x4x128xi32, #tpu.memory_space<hbm>>, %arg3: memref<32x4x128xi32, #tpu.memory_space<hbm>>, %arg4: memref<100000x128xf32, #tpu.memory_space<hbm>>, %arg5: memref<100000x128xf32, #tpu.memory_space<hbm>>, %arg6: memref<100000xf32, #tpu.memory_space<hbm>>, %arg7: memref<100000xf32, #tpu.memory_space<hbm>>, %arg8: memref<1xf32, #tpu.memory_space<hbm>>, %arg9: memref<16384xf32, #tpu.memory_space<hbm>>, %arg10: memref<4x128xi32, #tpu.memory_space<vmem>>, %arg11: memref<4x128xi32, #tpu.memory_space<vmem>>, %arg12: memref<2x128x128xf32, #tpu.memory_space<vmem>>, %arg13: memref<2x128x128xf32, #tpu.memory_space<vmem>>, %arg14: memref<2x128xf32, #tpu.memory_space<vmem>>, %arg15: memref<2x128xf32, #tpu.memory_space<vmem>>, %arg16: memref<1xf32, #tpu.memory_space<vmem>>, %arg17: memref<528xf32, #tpu.memory_space<vmem>>, %arg18: memref<!tpu.dma_semaphore, #tpu.memory_space<semaphore_mem>>, %arg19: memref<!tpu.dma_semaphore, #tpu.memory_space<semaphore_mem>>, %arg20: memref<!tpu.dma_semaphore, #tpu.memory_space<semaphore_mem>>, %arg21: memref<!tpu.dma_semaphore, #tpu.memory_space<semaphore_mem>>, %arg22: memref<!tpu.dma_semaphore, #tpu.memory_space<semaphore_mem>>, %arg23: memref<!tpu.dma_semaphore, #tpu.memory_space<semaphore_mem>>) attributes {dimension_semantics = [#tpu.dimension_semantics<core_parallel>, #tpu.dimension_semantics<subcore_parallel>], iteration_bounds = array<i64: 2, 16>, scalar_prefetch = 0 : i64, scratch_operands = 14 : i64, tpu.core_type = #tpu.core_type<sc_vector_subcore>, window_params = [{transform_indices = #map}, {transform_indices = #map}, {transform_indices = #map1}, {transform_indices = #map1}, {transform_indices = #map2}, {transform_indices = #map2}, {transform_indices = #map2}, {transform_indices = #map2}]} {
    %mul3A = arith.constant 2 : i32
    %mul3A_0 = arith.muli %arg1, %mul3A : i32
    %add3A = arith.addi %mul3A_0, %arg0 : i32
    %mul3A_1 = arith.constant 512 : i32
    %mul3A_2 = arith.muli %add3A, %mul3A_1 : i32
    %dma_start3A = arith.constant 0 : i32
    %dma_start3A_3 = arith.constant 0 : i32
    %dma_start3A_4 = tpu.memref_slice %arg2[%add3A, %dma_start3A, %dma_start3A_3] : memref<32x4x128xi32, #tpu.memory_space<hbm>> -> memref<1x4x128xi32, #tpu.memory_space<hbm>>
    %dma_start3A_5 = tpu.memref_squeeze %dma_start3A_4 : memref<1x4x128xi32, #tpu.memory_space<hbm>> -> memref<4x128xi32, #tpu.memory_space<hbm>>
    %dma_start3A_6 = arith.constant 0 : i32
    %dma_start3A_7 = arith.constant 0 : i32
    %dma_start3A_8 = tpu.memref_slice %arg2[%add3A, %dma_start3A_6, %dma_start3A_7] : memref<32x4x128xi32, #tpu.memory_space<hbm>> -> memref<1x4x128xi32, #tpu.memory_space<hbm>>
    %dma_start3A_9 = tpu.memref_squeeze %dma_start3A_8 : memref<1x4x128xi32, #tpu.memory_space<hbm>> -> memref<4x128xi32, #tpu.memory_space<hbm>>
    tpu.enqueue_dma source(%dma_start3A_9 : memref<4x128xi32, #tpu.memory_space<hbm>>) target(%arg10 : memref<4x128xi32, #tpu.memory_space<vmem>>) target_semaphore(%arg18 : memref<!tpu.dma_semaphore, #tpu.memory_space<semaphore_mem>>)
    %dma_start3A_10 = arith.constant 0 : i32
    %dma_start3A_11 = arith.constant 0 : i32
    %dma_start3A_12 = tpu.memref_slice %arg3[%add3A, %dma_start3A_10, %dma_start3A_11] : memref<32x4x128xi32, #tpu.memory_space<hbm>> -> memref<1x4x128xi32, #tpu.memory_space<hbm>>
    %dma_start3A_13 = tpu.memref_squeeze %dma_start3A_12 : memref<1x4x128xi32, #tpu.memory_space<hbm>> -> memref<4x128xi32, #tpu.memory_space<hbm>>
    %dma_start3A_14 = arith.constant 0 : i32
    %dma_start3A_15 = arith.constant 0 : i32
    %dma_start3A_16 = tpu.memref_slice %arg3[%add3A, %dma_start3A_14, %dma_start3A_15] : memref<32x4x128xi32, #tpu.memory_space<hbm>> -> memref<1x4x128xi32, #tpu.memory_space<hbm>>
    %dma_start3A_17 = tpu.memref_squeeze %dma_start3A_16 : memref<1x4x128xi32, #tpu.memory_space<hbm>> -> memref<4x128xi32, #tpu.memory_space<hbm>>
    tpu.enqueue_dma source(%dma_start3A_17 : memref<4x128xi32, #tpu.memory_space<hbm>>) target(%arg11 : memref<4x128xi32, #tpu.memory_space<vmem>>) target_semaphore(%arg19 : memref<!tpu.dma_semaphore, #tpu.memory_space<semaphore_mem>>)
    tpu.enqueue_dma source(%arg8 : memref<1xf32, #tpu.memory_space<hbm>>) target(%arg16 : memref<1xf32, #tpu.memory_space<vmem>>) target_semaphore(%arg22 : memref<!tpu.dma_semaphore, #tpu.memory_space<semaphore_mem>>)
    %dma_wait3A = arith.constant 0 : i32
    %dma_wait3A_18 = arith.constant 0 : i32
    %dma_wait3A_19 = tpu.memref_slice %arg2[%add3A, %dma_wait3A, %dma_wait3A_18] : memref<32x4x128xi32, #tpu.memory_space<hbm>> -> memref<1x4x128xi32, #tpu.memory_space<hbm>>
    %dma_wait3A_20 = tpu.memref_squeeze %dma_wait3A_19 : memref<1x4x128xi32, #tpu.memory_space<hbm>> -> memref<4x128xi32, #tpu.memory_space<hbm>>
    %dma_wait3A_21 = arith.constant 0 : i32
    %dma_wait3A_22 = arith.constant 0 : i32
    %dma_wait3A_23 = tpu.memref_slice %arg2[%add3A, %dma_wait3A_21, %dma_wait3A_22] : memref<32x4x128xi32, #tpu.memory_space<hbm>> -> memref<1x4x128xi32, #tpu.memory_space<hbm>>
    %dma_wait3A_24 = tpu.memref_squeeze %dma_wait3A_23 : memref<1x4x128xi32, #tpu.memory_space<hbm>> -> memref<4x128xi32, #tpu.memory_space<hbm>>
    tpu.wait_dma2 semaphore(%arg18 : memref<!tpu.dma_semaphore, #tpu.memory_space<semaphore_mem>>) src(%dma_wait3A_24 : memref<4x128xi32, #tpu.memory_space<hbm>>) dst(%arg10 : memref<4x128xi32, #tpu.memory_space<vmem>>)
    %dma_wait3A_25 = arith.constant 0 : i32
    %dma_wait3A_26 = arith.constant 0 : i32
    %dma_wait3A_27 = tpu.memref_slice %arg3[%add3A, %dma_wait3A_25, %dma_wait3A_26] : memref<32x4x128xi32, #tpu.memory_space<hbm>> -> memref<1x4x128xi32, #tpu.memory_space<hbm>>
    %dma_wait3A_28 = tpu.memref_squeeze %dma_wait3A_27 : memref<1x4x128xi32, #tpu.memory_space<hbm>> -> memref<4x128xi32, #tpu.memory_space<hbm>>
    %dma_wait3A_29 = arith.constant 0 : i32
    %dma_wait3A_30 = arith.constant 0 : i32
    %dma_wait3A_31 = tpu.memref_slice %arg3[%add3A, %dma_wait3A_29, %dma_wait3A_30] : memref<32x4x128xi32, #tpu.memory_space<hbm>> -> memref<1x4x128xi32, #tpu.memory_space<hbm>>
    %dma_wait3A_32 = tpu.memref_squeeze %dma_wait3A_31 : memref<1x4x128xi32, #tpu.memory_space<hbm>> -> memref<4x128xi32, #tpu.memory_space<hbm>>
    tpu.wait_dma2 semaphore(%arg19 : memref<!tpu.dma_semaphore, #tpu.memory_space<semaphore_mem>>) src(%dma_wait3A_32 : memref<4x128xi32, #tpu.memory_space<hbm>>) dst(%arg11 : memref<4x128xi32, #tpu.memory_space<vmem>>)
    tpu.wait_dma2 semaphore(%arg22 : memref<!tpu.dma_semaphore, #tpu.memory_space<semaphore_mem>>) src(%arg8 : memref<1xf32, #tpu.memory_space<hbm>>) dst(%arg16 : memref<1xf32, #tpu.memory_space<vmem>>)
    %iota3A = tpu.iota {dimensions = array<i32: 0>} : vector<16xi32>
    %broadcast_in_dim3A = arith.constant 0 : i32
    %broadcast_in_dim3A_33 = vector.broadcast %broadcast_in_dim3A : i32 to vector<16xi32>
    %gather3A = tpu.vector_load_idx %arg16[%broadcast_in_dim3A_33] : memref<1xf32, #tpu.memory_space<vmem>>[vector<16xi32>], vector<16xf32>,
    %eq3A = arith.constant 15 : i32
    %eq3A_34 = vector.broadcast %eq3A : i32 to vector<16xi32>
    %eq3A_35 = arith.cmpi eq, %iota3A, %eq3A_34 : vector<16xi32>
    %dma_start3A_36 = arith.constant 0 : i32
    %dma_start3A_37 = arith.constant 0 : i32
    %dma_start3A_38 = arith.constant 0 : i32
    %dma_start3A_39 = arith.constant 0 : i32
    %dma_start3A_40 = tpu.memref_slice %arg12[%dma_start3A_37, %dma_start3A_38, %dma_start3A_39] : memref<2x128x128xf32, #tpu.memory_space<vmem>> -> memref<1x128x128xf32, #tpu.memory_space<vmem>>
    %dma_start3A_41 = tpu.memref_squeeze %dma_start3A_40 : memref<1x128x128xf32, #tpu.memory_space<vmem>> -> memref<128x128xf32, #tpu.memory_space<vmem>>
    %dma_start3A_42 = arith.constant 0 : i32
    %dma_start3A_43 = tpu.memref_slice %arg10[%dma_start3A_36, %dma_start3A_42] : memref<4x128xi32, #tpu.memory_space<vmem>> -> memref<1x128xi32, #tpu.memory_space<vmem>>
    %dma_start3A_44 = tpu.memref_squeeze %dma_start3A_43 : memref<1x128xi32, #tpu.memory_space<vmem>> -> memref<128xi32, #tpu.memory_space<vmem>>
    %dma_start3A_45 = arith.constant 0 : i32
    %dma_start3A_46 = arith.constant 0 : i32
    %dma_start3A_47 = tpu.memref_slice %arg4[%dma_start3A_45, %dma_start3A_46] : memref<100000x128xf32, #tpu.memory_space<hbm>> -> memref<100000x128xf32, #tpu.memory_space<hbm>>
    tpu.enqueue_indirect_dma source(%dma_start3A_47 : memref<100000x128xf32, #tpu.memory_space<hbm>>) target(%dma_start3A_41 : memref<128x128xf32, #tpu.memory_space<vmem>>) offsets(%dma_start3A_44 : memref<128xi32, #tpu.memory_space<vmem>>) semaphore(%arg20 : memref<!tpu.dma_semaphore, #tpu.memory_space<semaphore_mem>>)
    %dma_start3A_48 = arith.constant 0 : i32
    %dma_start3A_49 = arith.constant 0 : i32
    %dma_start3A_50 = arith.constant 0 : i32
    %dma_start3A_51 = arith.constant 0 : i32
    %dma_start3A_52 = tpu.memref_slice %arg13[%dma_start3A_49, %dma_start3A_50, %dma_start3A_51] : memref<2x128x128xf32, #tpu.memory_space<vmem>> -> memref<1x128x128xf32, #tpu.memory_space<vmem>>
    %dma_start3A_53 = tpu.memref_squeeze %dma_start3A_52 : memref<1x128x128xf32, #tpu.memory_space<vmem>> -> memref<128x128xf32, #tpu.memory_space<vmem>>
    %dma_start3A_54 = arith.constant 0 : i32
    %dma_start3A_55 = tpu.memref_slice %arg11[%dma_start3A_48, %dma_start3A_54] : memref<4x128xi32, #tpu.memory_space<vmem>> -> memref<1x128xi32, #tpu.memory_space<vmem>>
    %dma_start3A_56 = tpu.memref_squeeze %dma_start3A_55 : memref<1x128xi32, #tpu.memory_space<vmem>> -> memref<128xi32, #tpu.memory_space<vmem>>
    %dma_start3A_57 = arith.constant 0 : i32
    %dma_start3A_58 = arith.constant 0 : i32
    %dma_start3A_59 = tpu.memref_slice %arg5[%dma_start3A_57, %dma_start3A_58] : memref<100000x128xf32, #tpu.memory_space<hbm>> -> memref<100000x128xf32, #tpu.memory_space<hbm>>
    tpu.enqueue_indirect_dma source(%dma_start3A_59 : memref<100000x128xf32, #tpu.memory_space<hbm>>) target(%dma_start3A_53 : memref<128x128xf32, #tpu.memory_space<vmem>>) offsets(%dma_start3A_56 : memref<128xi32, #tpu.memory_space<vmem>>) semaphore(%arg21 : memref<!tpu.dma_semaphore, #tpu.memory_space<semaphore_mem>>)
    %dma_start3A_60 = arith.constant 0 : i32
    %dma_start3A_61 = arith.constant 0 : i32
    %dma_start3A_62 = arith.constant 0 : i32
    %dma_start3A_63 = tpu.memref_slice %arg14[%dma_start3A_61, %dma_start3A_62] : memref<2x128xf32, #tpu.memory_space<vmem>> -> memref<1x128xf32, #tpu.memory_space<vmem>>
    %dma_start3A_64 = tpu.memref_squeeze %dma_start3A_63 : memref<1x128xf32, #tpu.memory_space<vmem>> -> memref<128xf32, #tpu.memory_space<vmem>>
    %dma_start3A_65 = arith.constant 0 : i32
    %dma_start3A_66 = tpu.memref_slice %arg10[%dma_start3A_60, %dma_start3A_65] : memref<4x128xi32, #tpu.memory_space<vmem>> -> memref<1x128xi32, #tpu.memory_space<vmem>>
    %dma_start3A_67 = tpu.memref_squeeze %dma_start3A_66 : memref<1x128xi32, #tpu.memory_space<vmem>> -> memref<128xi32, #tpu.memory_space<vmem>>
    %dma_start3A_68 = arith.constant 0 : i32
    %dma_start3A_69 = tpu.memref_slice %arg6[%dma_start3A_68] : memref<100000xf32, #tpu.memory_space<hbm>> -> memref<100000xf32, #tpu.memory_space<hbm>>
    tpu.enqueue_indirect_dma source(%dma_start3A_69 : memref<100000xf32, #tpu.memory_space<hbm>>) target(%dma_start3A_64 : memref<128xf32, #tpu.memory_space<vmem>>) offsets(%dma_start3A_67 : memref<128xi32, #tpu.memory_space<vmem>>) semaphore(%arg22 : memref<!tpu.dma_semaphore, #tpu.memory_space<semaphore_mem>>)
    %dma_start3A_70 = arith.constant 0 : i32
    %dma_start3A_71 = arith.constant 0 : i32
    %dma_start3A_72 = arith.constant 0 : i32
    %dma_start3A_73 = tpu.memref_slice %arg15[%dma_start3A_71, %dma_start3A_72] : memref<2x128xf32, #tpu.memory_space<vmem>> -> memref<1x128xf32, #tpu.memory_space<vmem>>
    %dma_start3A_74 = tpu.memref_squeeze %dma_start3A_73 : memref<1x128xf32, #tpu.memory_space<vmem>> -> memref<128xf32, #tpu.memory_space<vmem>>
    %dma_start3A_75 = arith.constant 0 : i32
    %dma_start3A_76 = tpu.memref_slice %arg11[%dma_start3A_70, %dma_start3A_75] : memref<4x128xi32, #tpu.memory_space<vmem>> -> memref<1x128xi32, #tpu.memory_space<vmem>>
    %dma_start3A_77 = tpu.memref_squeeze %dma_start3A_76 : memref<1x128xi32, #tpu.memory_space<vmem>> -> memref<128xi32, #tpu.memory_space<vmem>>
    %dma_start3A_78 = arith.constant 0 : i32
    %dma_start3A_79 = tpu.memref_slice %arg7[%dma_start3A_78] : memref<100000xf32, #tpu.memory_space<hbm>> -> memref<100000xf32, #tpu.memory_space<hbm>>
    tpu.enqueue_indirect_dma source(%dma_start3A_79 : memref<100000xf32, #tpu.memory_space<hbm>>) target(%dma_start3A_74 : memref<128xf32, #tpu.memory_space<vmem>>) offsets(%dma_start3A_77 : memref<128xi32, #tpu.memory_space<vmem>>) semaphore(%arg23 : memref<!tpu.dma_semaphore, #tpu.memory_space<semaphore_mem>>)
    %scan3A = arith.constant 0 : i32
    %scan3A_80 = arith.constant 4 : i32
    %scan3A_81 = arith.addi %scan3A, %scan3A_80 : i32
    %scan3A_82 = arith.constant 1 : i32
    scf.for %scan3A_84 = %scan3A to %scan3A_81 step %scan3A_82  : i32 {
      %mul3A_85 = arith.constant 1 : i32
      %mul3A_86 = arith.muli %scan3A_84, %mul3A_85 : i32
      %add3A_87 = arith.constant 0 : i32
      %add3A_88 = arith.addi %add3A_87, %mul3A_86 : i32
      %rem3A = arith.constant 2 : i32
      %rem3A_89 = arith.remsi %add3A_88, %rem3A : i32
      %dma_wait3A_90 = arith.constant 0 : i32
      %dma_wait3A_91 = arith.constant 0 : i32
      %dma_wait3A_92 = tpu.memref_slice %arg12[%rem3A_89, %dma_wait3A_90, %dma_wait3A_91] : memref<2x128x128xf32, #tpu.memory_space<vmem>> -> memref<1x128x128xf32, #tpu.memory_space<vmem>>
      %dma_wait3A_93 = tpu.memref_squeeze %dma_wait3A_92 : memref<1x128x128xf32, #tpu.memory_space<vmem>> -> memref<128x128xf32, #tpu.memory_space<vmem>>
      %dma_wait3A_94 = arith.constant 0 : i32
      %dma_wait3A_95 = tpu.memref_slice %arg10[%add3A_88, %dma_wait3A_94] : memref<4x128xi32, #tpu.memory_space<vmem>> -> memref<1x128xi32, #tpu.memory_space<vmem>>
      %dma_wait3A_96 = tpu.memref_squeeze %dma_wait3A_95 : memref<1x128xi32, #tpu.memory_space<vmem>> -> memref<128xi32, #tpu.memory_space<vmem>>
      %dma_wait3A_97 = arith.constant 0 : i32
      %dma_wait3A_98 = arith.constant 0 : i32
      %dma_wait3A_99 = tpu.memref_slice %arg4[%dma_wait3A_97, %dma_wait3A_98] : memref<100000x128xf32, #tpu.memory_space<hbm>> -> memref<100000x128xf32, #tpu.memory_space<hbm>>
      tpu.wait_indirect_dma semaphore(%arg20 : memref<!tpu.dma_semaphore, #tpu.memory_space<semaphore_mem>>) src(%dma_wait3A_99 : memref<100000x128xf32, #tpu.memory_space<hbm>>) dst(%dma_wait3A_93 : memref<128x128xf32, #tpu.memory_space<vmem>>)
      %dma_wait3A_100 = arith.constant 0 : i32
      %dma_wait3A_101 = arith.constant 0 : i32
      %dma_wait3A_102 = tpu.memref_slice %arg13[%rem3A_89, %dma_wait3A_100, %dma_wait3A_101] : memref<2x128x128xf32, #tpu.memory_space<vmem>> -> memref<1x128x128xf32, #tpu.memory_space<vmem>>
      %dma_wait3A_103 = tpu.memref_squeeze %dma_wait3A_102 : memref<1x128x128xf32, #tpu.memory_space<vmem>> -> memref<128x128xf32, #tpu.memory_space<vmem>>
      %dma_wait3A_104 = arith.constant 0 : i32
      %dma_wait3A_105 = tpu.memref_slice %arg11[%add3A_88, %dma_wait3A_104] : memref<4x128xi32, #tpu.memory_space<vmem>> -> memref<1x128xi32, #tpu.memory_space<vmem>>
      %dma_wait3A_106 = tpu.memref_squeeze %dma_wait3A_105 : memref<1x128xi32, #tpu.memory_space<vmem>> -> memref<128xi32, #tpu.memory_space<vmem>>
      %dma_wait3A_107 = arith.constant 0 : i32
      %dma_wait3A_108 = arith.constant 0 : i32
      %dma_wait3A_109 = tpu.memref_slice %arg5[%dma_wait3A_107, %dma_wait3A_108] : memref<100000x128xf32, #tpu.memory_space<hbm>> -> memref<100000x128xf32, #tpu.memory_space<hbm>>
      tpu.wait_indirect_dma semaphore(%arg21 : memref<!tpu.dma_semaphore, #tpu.memory_space<semaphore_mem>>) src(%dma_wait3A_109 : memref<100000x128xf32, #tpu.memory_space<hbm>>) dst(%dma_wait3A_103 : memref<128x128xf32, #tpu.memory_space<vmem>>)
      %lt3A = arith.constant 3 : i32
      %lt3A_110 = arith.cmpi slt, %add3A_88, %lt3A : i32
      %convert_element_type3A = arith.extui %lt3A_110 : i1 to i32
      %cond3A = arith.constant 0 : i32
      %cond3A_111 = arith.cmpi ne, %convert_element_type3A, %cond3A : i32
      scf.if %cond3A_111 {
        %add3A_133 = arith.constant 1 : i32
        %add3A_134 = arith.addi %add3A_88, %add3A_133 : i32
        %sub3A = arith.constant 1 : i32
        %sub3A_135 = arith.subi %sub3A, %rem3A_89 : i32
        %add3A_136 = arith.constant 1 : i32
        %add3A_137 = arith.addi %add3A_88, %add3A_136 : i32
        %sub3A_138 = arith.constant 1 : i32
        %sub3A_139 = arith.subi %sub3A_138, %rem3A_89 : i32
        %dma_start3A_140 = arith.constant 0 : i32
        %dma_start3A_141 = arith.constant 0 : i32
        %dma_start3A_142 = tpu.memref_slice %arg12[%sub3A_135, %dma_start3A_140, %dma_start3A_141] : memref<2x128x128xf32, #tpu.memory_space<vmem>> -> memref<1x128x128xf32, #tpu.memory_space<vmem>>
        %dma_start3A_143 = tpu.memref_squeeze %dma_start3A_142 : memref<1x128x128xf32, #tpu.memory_space<vmem>> -> memref<128x128xf32, #tpu.memory_space<vmem>>
        %dma_start3A_144 = arith.constant 0 : i32
        %dma_start3A_145 = tpu.memref_slice %arg10[%add3A_134, %dma_start3A_144] : memref<4x128xi32, #tpu.memory_space<vmem>> -> memref<1x128xi32, #tpu.memory_space<vmem>>
        %dma_start3A_146 = tpu.memref_squeeze %dma_start3A_145 : memref<1x128xi32, #tpu.memory_space<vmem>> -> memref<128xi32, #tpu.memory_space<vmem>>
        %dma_start3A_147 = arith.constant 0 : i32
        %dma_start3A_148 = arith.constant 0 : i32
        %dma_start3A_149 = tpu.memref_slice %arg4[%dma_start3A_147, %dma_start3A_148] : memref<100000x128xf32, #tpu.memory_space<hbm>> -> memref<100000x128xf32, #tpu.memory_space<hbm>>
        tpu.enqueue_indirect_dma source(%dma_start3A_149 : memref<100000x128xf32, #tpu.memory_space<hbm>>) target(%dma_start3A_143 : memref<128x128xf32, #tpu.memory_space<vmem>>) offsets(%dma_start3A_146 : memref<128xi32, #tpu.memory_space<vmem>>) semaphore(%arg20 : memref<!tpu.dma_semaphore, #tpu.memory_space<semaphore_mem>>)
        %dma_start3A_150 = arith.constant 0 : i32
        %dma_start3A_151 = arith.constant 0 : i32
        %dma_start3A_152 = tpu.memref_slice %arg13[%sub3A_135, %dma_start3A_150, %dma_start3A_151] : memref<2x128x128xf32, #tpu.memory_space<vmem>> -> memref<1x128x128xf32, #tpu.memory_space<vmem>>
        %dma_start3A_153 = tpu.memref_squeeze %dma_start3A_152 : memref<1x128x128xf32, #tpu.memory_space<vmem>> -> memref<128x128xf32, #tpu.memory_space<vmem>>
        %dma_start3A_154 = arith.constant 0 : i32
        %dma_start3A_155 = tpu.memref_slice %arg11[%add3A_134, %dma_start3A_154] : memref<4x128xi32, #tpu.memory_space<vmem>> -> memref<1x128xi32, #tpu.memory_space<vmem>>
        %dma_start3A_156 = tpu.memref_squeeze %dma_start3A_155 : memref<1x128xi32, #tpu.memory_space<vmem>> -> memref<128xi32, #tpu.memory_space<vmem>>
        %dma_start3A_157 = arith.constant 0 : i32
        %dma_start3A_158 = arith.constant 0 : i32
        %dma_start3A_159 = tpu.memref_slice %arg5[%dma_start3A_157, %dma_start3A_158] : memref<100000x128xf32, #tpu.memory_space<hbm>> -> memref<100000x128xf32, #tpu.memory_space<hbm>>
        tpu.enqueue_indirect_dma source(%dma_start3A_159 : memref<100000x128xf32, #tpu.memory_space<hbm>>) target(%dma_start3A_153 : memref<128x128xf32, #tpu.memory_space<vmem>>) offsets(%dma_start3A_156 : memref<128xi32, #tpu.memory_space<vmem>>) semaphore(%arg21 : memref<!tpu.dma_semaphore, #tpu.memory_space<semaphore_mem>>)
        %dma_start3A_160 = arith.constant 0 : i32
        %dma_start3A_161 = tpu.memref_slice %arg14[%sub3A_139, %dma_start3A_160] : memref<2x128xf32, #tpu.memory_space<vmem>> -> memref<1x128xf32, #tpu.memory_space<vmem>>
        %dma_start3A_162 = tpu.memref_squeeze %dma_start3A_161 : memref<1x128xf32, #tpu.memory_space<vmem>> -> memref<128xf32, #tpu.memory_space<vmem>>
        %dma_start3A_163 = arith.constant 0 : i32
        %dma_start3A_164 = tpu.memref_slice %arg10[%add3A_137, %dma_start3A_163] : memref<4x128xi32, #tpu.memory_space<vmem>> -> memref<1x128xi32, #tpu.memory_space<vmem>>
        %dma_start3A_165 = tpu.memref_squeeze %dma_start3A_164 : memref<1x128xi32, #tpu.memory_space<vmem>> -> memref<128xi32, #tpu.memory_space<vmem>>
        %dma_start3A_166 = arith.constant 0 : i32
        %dma_start3A_167 = tpu.memref_slice %arg6[%dma_start3A_166] : memref<100000xf32, #tpu.memory_space<hbm>> -> memref<100000xf32, #tpu.memory_space<hbm>>
        tpu.enqueue_indirect_dma source(%dma_start3A_167 : memref<100000xf32, #tpu.memory_space<hbm>>) target(%dma_start3A_162 : memref<128xf32, #tpu.memory_space<vmem>>) offsets(%dma_start3A_165 : memref<128xi32, #tpu.memory_space<vmem>>) semaphore(%arg22 : memref<!tpu.dma_semaphore, #tpu.memory_space<semaphore_mem>>)
        %dma_start3A_168 = arith.constant 0 : i32
        %dma_start3A_169 = tpu.memref_slice %arg15[%sub3A_139, %dma_start3A_168] : memref<2x128xf32, #tpu.memory_space<vmem>> -> memref<1x128xf32, #tpu.memory_space<vmem>>
        %dma_start3A_170 = tpu.memref_squeeze %dma_start3A_169 : memref<1x128xf32, #tpu.memory_space<vmem>> -> memref<128xf32, #tpu.memory_space<vmem>>
        %dma_start3A_171 = arith.constant 0 : i32
        %dma_start3A_172 = tpu.memref_slice %arg11[%add3A_137, %dma_start3A_171] : memref<4x128xi32, #tpu.memory_space<vmem>> -> memref<1x128xi32, #tpu.memory_space<vmem>>
        %dma_start3A_173 = tpu.memref_squeeze %dma_start3A_172 : memref<1x128xi32, #tpu.memory_space<vmem>> -> memref<128xi32, #tpu.memory_space<vmem>>
        %dma_start3A_174 = arith.constant 0 : i32
        %dma_start3A_175 = tpu.memref_slice %arg7[%dma_start3A_174] : memref<100000xf32, #tpu.memory_space<hbm>> -> memref<100000xf32, #tpu.memory_space<hbm>>
        tpu.enqueue_indirect_dma source(%dma_start3A_175 : memref<100000xf32, #tpu.memory_space<hbm>>) target(%dma_start3A_170 : memref<128xf32, #tpu.memory_space<vmem>>) offsets(%dma_start3A_173 : memref<128xi32, #tpu.memory_space<vmem>>) semaphore(%arg23 : memref<!tpu.dma_semaphore, #tpu.memory_space<semaphore_mem>>)
      } else {
      }
      %parallel_loop3A = arith.constant 0 : i32
      %parallel_loop3A_112 = arith.constant 128 : i32
      %parallel_loop3A_113 = arith.constant 1 : i32
      scf.for %parallel_loop3A_133 = %parallel_loop3A to %parallel_loop3A_112 step %parallel_loop3A_113  : i32 {
        %parallel_loop3A_134 = arith.constant 0 : i32
        %parallel_loop3A_135 = arith.constant 0 : i32
        %parallel_loop3A_136 = tpu.memref_slice %arg12[%rem3A_89, %parallel_loop3A_134, %parallel_loop3A_135] : memref<2x128x128xf32, #tpu.memory_space<vmem>> -> memref<1x128x128xf32, #tpu.memory_space<vmem>>
        %parallel_loop3A_137 = tpu.memref_squeeze %parallel_loop3A_136 : memref<1x128x128xf32, #tpu.memory_space<vmem>> -> memref<128x128xf32, #tpu.memory_space<vmem>>
        %parallel_loop3A_138 = arith.index_cast %parallel_loop3A_133 : i32 to index
        %parallel_loop3A_139 = arith.constant 0 : index
        %parallel_loop3A_140 = tpu.vector_load %parallel_loop3A_137[%parallel_loop3A_138, %parallel_loop3A_139] {strides = array<i32>} : memref<128x128xf32, #tpu.memory_space<vmem>>, vector<16xf32>,
        %parallel_loop3A_141 = arith.constant 0 : i32
        %parallel_loop3A_142 = arith.constant 0 : i32
        %parallel_loop3A_143 = tpu.memref_slice %arg13[%rem3A_89, %parallel_loop3A_141, %parallel_loop3A_142] : memref<2x128x128xf32, #tpu.memory_space<vmem>> -> memref<1x128x128xf32, #tpu.memory_space<vmem>>
        %parallel_loop3A_144 = tpu.memref_squeeze %parallel_loop3A_143 : memref<1x128x128xf32, #tpu.memory_space<vmem>> -> memref<128x128xf32, #tpu.memory_space<vmem>>
        %parallel_loop3A_145 = arith.index_cast %parallel_loop3A_133 : i32 to index
        %parallel_loop3A_146 = arith.constant 0 : index
        %parallel_loop3A_147 = tpu.vector_load %parallel_loop3A_144[%parallel_loop3A_145, %parallel_loop3A_146] {strides = array<i32>} : memref<128x128xf32, #tpu.memory_space<vmem>>, vector<16xf32>,
        %parallel_loop3A_148 = arith.mulf %parallel_loop3A_140, %parallel_loop3A_147 : vector<16xf32>
        %parallel_loop3A_149 = arith.constant 0 : i32
        %parallel_loop3A_150 = arith.constant 0 : i32
        %parallel_loop3A_151 = tpu.memref_slice %arg12[%rem3A_89, %parallel_loop3A_149, %parallel_loop3A_150] : memref<2x128x128xf32, #tpu.memory_space<vmem>> -> memref<1x128x128xf32, #tpu.memory_space<vmem>>
        %parallel_loop3A_152 = tpu.memref_squeeze %parallel_loop3A_151 : memref<1x128x128xf32, #tpu.memory_space<vmem>> -> memref<128x128xf32, #tpu.memory_space<vmem>>
        %parallel_loop3A_153 = arith.index_cast %parallel_loop3A_133 : i32 to index
        %parallel_loop3A_154 = arith.constant 16 : index
        %parallel_loop3A_155 = tpu.vector_load %parallel_loop3A_152[%parallel_loop3A_153, %parallel_loop3A_154] {strides = array<i32>} : memref<128x128xf32, #tpu.memory_space<vmem>>, vector<16xf32>,
        %parallel_loop3A_156 = arith.constant 0 : i32
        %parallel_loop3A_157 = arith.constant 0 : i32
        %parallel_loop3A_158 = tpu.memref_slice %arg13[%rem3A_89, %parallel_loop3A_156, %parallel_loop3A_157] : memref<2x128x128xf32, #tpu.memory_space<vmem>> -> memref<1x128x128xf32, #tpu.memory_space<vmem>>
        %parallel_loop3A_159 = tpu.memref_squeeze %parallel_loop3A_158 : memref<1x128x128xf32, #tpu.memory_space<vmem>> -> memref<128x128xf32, #tpu.memory_space<vmem>>
        %parallel_loop3A_160 = arith.index_cast %parallel_loop3A_133 : i32 to index
        %parallel_loop3A_161 = arith.constant 16 : index
        %parallel_loop3A_162 = tpu.vector_load %parallel_loop3A_159[%parallel_loop3A_160, %parallel_loop3A_161] {strides = array<i32>} : memref<128x128xf32, #tpu.memory_space<vmem>>, vector<16xf32>,
        %parallel_loop3A_163 = arith.mulf %parallel_loop3A_155, %parallel_loop3A_162 : vector<16xf32>
        %parallel_loop3A_164 = arith.constant 0 : i32
        %parallel_loop3A_165 = arith.constant 0 : i32
        %parallel_loop3A_166 = tpu.memref_slice %arg12[%rem3A_89, %parallel_loop3A_164, %parallel_loop3A_165] : memref<2x128x128xf32, #tpu.memory_space<vmem>> -> memref<1x128x128xf32, #tpu.memory_space<vmem>>
        %parallel_loop3A_167 = tpu.memref_squeeze %parallel_loop3A_166 : memref<1x128x128xf32, #tpu.memory_space<vmem>> -> memref<128x128xf32, #tpu.memory_space<vmem>>
        %parallel_loop3A_168 = arith.index_cast %parallel_loop3A_133 : i32 to index
        %parallel_loop3A_169 = arith.constant 32 : index
        %parallel_loop3A_170 = tpu.vector_load %parallel_loop3A_167[%parallel_loop3A_168, %parallel_loop3A_169] {strides = array<i32>} : memref<128x128xf32, #tpu.memory_space<vmem>>, vector<16xf32>,
        %parallel_loop3A_171 = arith.constant 0 : i32
        %parallel_loop3A_172 = arith.constant 0 : i32
        %parallel_loop3A_173 = tpu.memref_slice %arg13[%rem3A_89, %parallel_loop3A_171, %parallel_loop3A_172] : memref<2x128x128xf32, #tpu.memory_space<vmem>> -> memref<1x128x128xf32, #tpu.memory_space<vmem>>
        %parallel_loop3A_174 = tpu.memref_squeeze %parallel_loop3A_173 : memref<1x128x128xf32, #tpu.memory_space<vmem>> -> memref<128x128xf32, #tpu.memory_space<vmem>>
        %parallel_loop3A_175 = arith.index_cast %parallel_loop3A_133 : i32 to index
        %parallel_loop3A_176 = arith.constant 32 : index
        %parallel_loop3A_177 = tpu.vector_load %parallel_loop3A_174[%parallel_loop3A_175, %parallel_loop3A_176] {strides = array<i32>} : memref<128x128xf32, #tpu.memory_space<vmem>>, vector<16xf32>,
        %parallel_loop3A_178 = arith.mulf %parallel_loop3A_170, %parallel_loop3A_177 : vector<16xf32>
        %parallel_loop3A_179 = arith.constant 0 : i32
        %parallel_loop3A_180 = arith.constant 0 : i32
        %parallel_loop3A_181 = tpu.memref_slice %arg12[%rem3A_89, %parallel_loop3A_179, %parallel_loop3A_180] : memref<2x128x128xf32, #tpu.memory_space<vmem>> -> memref<1x128x128xf32, #tpu.memory_space<vmem>>
        %parallel_loop3A_182 = tpu.memref_squeeze %parallel_loop3A_181 : memref<1x128x128xf32, #tpu.memory_space<vmem>> -> memref<128x128xf32, #tpu.memory_space<vmem>>
        %parallel_loop3A_183 = arith.index_cast %parallel_loop3A_133 : i32 to index
        %parallel_loop3A_184 = arith.constant 48 : index
        %parallel_loop3A_185 = tpu.vector_load %parallel_loop3A_182[%parallel_loop3A_183, %parallel_loop3A_184] {strides = array<i32>} : memref<128x128xf32, #tpu.memory_space<vmem>>, vector<16xf32>,
        %parallel_loop3A_186 = arith.constant 0 : i32
        %parallel_loop3A_187 = arith.constant 0 : i32
        %parallel_loop3A_188 = tpu.memref_slice %arg13[%rem3A_89, %parallel_loop3A_186, %parallel_loop3A_187] : memref<2x128x128xf32, #tpu.memory_space<vmem>> -> memref<1x128x128xf32, #tpu.memory_space<vmem>>
        %parallel_loop3A_189 = tpu.memref_squeeze %parallel_loop3A_188 : memref<1x128x128xf32, #tpu.memory_space<vmem>> -> memref<128x128xf32, #tpu.memory_space<vmem>>
        %parallel_loop3A_190 = arith.index_cast %parallel_loop3A_133 : i32 to index
        %parallel_loop3A_191 = arith.constant 48 : index
        %parallel_loop3A_192 = tpu.vector_load %parallel_loop3A_189[%parallel_loop3A_190, %parallel_loop3A_191] {strides = array<i32>} : memref<128x128xf32, #tpu.memory_space<vmem>>, vector<16xf32>,
        %parallel_loop3A_193 = arith.mulf %parallel_loop3A_185, %parallel_loop3A_192 : vector<16xf32>
        %parallel_loop3A_194 = arith.constant 0 : i32
        %parallel_loop3A_195 = arith.constant 0 : i32
        %parallel_loop3A_196 = tpu.memref_slice %arg12[%rem3A_89, %parallel_loop3A_194, %parallel_loop3A_195] : memref<2x128x128xf32, #tpu.memory_space<vmem>> -> memref<1x128x128xf32, #tpu.memory_space<vmem>>
        %parallel_loop3A_197 = tpu.memref_squeeze %parallel_loop3A_196 : memref<1x128x128xf32, #tpu.memory_space<vmem>> -> memref<128x128xf32, #tpu.memory_space<vmem>>
        %parallel_loop3A_198 = arith.index_cast %parallel_loop3A_133 : i32 to index
        %parallel_loop3A_199 = arith.constant 64 : index
        %parallel_loop3A_200 = tpu.vector_load %parallel_loop3A_197[%parallel_loop3A_198, %parallel_loop3A_199] {strides = array<i32>} : memref<128x128xf32, #tpu.memory_space<vmem>>, vector<16xf32>,
        %parallel_loop3A_201 = arith.constant 0 : i32
        %parallel_loop3A_202 = arith.constant 0 : i32
        %parallel_loop3A_203 = tpu.memref_slice %arg13[%rem3A_89, %parallel_loop3A_201, %parallel_loop3A_202] : memref<2x128x128xf32, #tpu.memory_space<vmem>> -> memref<1x128x128xf32, #tpu.memory_space<vmem>>
        %parallel_loop3A_204 = tpu.memref_squeeze %parallel_loop3A_203 : memref<1x128x128xf32, #tpu.memory_space<vmem>> -> memref<128x128xf32, #tpu.memory_space<vmem>>
        %parallel_loop3A_205 = arith.index_cast %parallel_loop3A_133 : i32 to index
        %parallel_loop3A_206 = arith.constant 64 : index
        %parallel_loop3A_207 = tpu.vector_load %parallel_loop3A_204[%parallel_loop3A_205, %parallel_loop3A_206] {strides = array<i32>} : memref<128x128xf32, #tpu.memory_space<vmem>>, vector<16xf32>,
        %parallel_loop3A_208 = arith.mulf %parallel_loop3A_200, %parallel_loop3A_207 : vector<16xf32>
        %parallel_loop3A_209 = arith.constant 0 : i32
        %parallel_loop3A_210 = arith.constant 0 : i32
        %parallel_loop3A_211 = tpu.memref_slice %arg12[%rem3A_89, %parallel_loop3A_209, %parallel_loop3A_210] : memref<2x128x128xf32, #tpu.memory_space<vmem>> -> memref<1x128x128xf32, #tpu.memory_space<vmem>>
        %parallel_loop3A_212 = tpu.memref_squeeze %parallel_loop3A_211 : memref<1x128x128xf32, #tpu.memory_space<vmem>> -> memref<128x128xf32, #tpu.memory_space<vmem>>
        %parallel_loop3A_213 = arith.index_cast %parallel_loop3A_133 : i32 to index
        %parallel_loop3A_214 = arith.constant 80 : index
        %parallel_loop3A_215 = tpu.vector_load %parallel_loop3A_212[%parallel_loop3A_213, %parallel_loop3A_214] {strides = array<i32>} : memref<128x128xf32, #tpu.memory_space<vmem>>, vector<16xf32>,
        %parallel_loop3A_216 = arith.constant 0 : i32
        %parallel_loop3A_217 = arith.constant 0 : i32
        %parallel_loop3A_218 = tpu.memref_slice %arg13[%rem3A_89, %parallel_loop3A_216, %parallel_loop3A_217] : memref<2x128x128xf32, #tpu.memory_space<vmem>> -> memref<1x128x128xf32, #tpu.memory_space<vmem>>
        %parallel_loop3A_219 = tpu.memref_squeeze %parallel_loop3A_218 : memref<1x128x128xf32, #tpu.memory_space<vmem>> -> memref<128x128xf32, #tpu.memory_space<vmem>>
        %parallel_loop3A_220 = arith.index_cast %parallel_loop3A_133 : i32 to index
        %parallel_loop3A_221 = arith.constant 80 : index
        %parallel_loop3A_222 = tpu.vector_load %parallel_loop3A_219[%parallel_loop3A_220, %parallel_loop3A_221] {strides = array<i32>} : memref<128x128xf32, #tpu.memory_space<vmem>>, vector<16xf32>,
        %parallel_loop3A_223 = arith.mulf %parallel_loop3A_215, %parallel_loop3A_222 : vector<16xf32>
        %parallel_loop3A_224 = arith.constant 0 : i32
        %parallel_loop3A_225 = arith.constant 0 : i32
        %parallel_loop3A_226 = tpu.memref_slice %arg12[%rem3A_89, %parallel_loop3A_224, %parallel_loop3A_225] : memref<2x128x128xf32, #tpu.memory_space<vmem>> -> memref<1x128x128xf32, #tpu.memory_space<vmem>>
        %parallel_loop3A_227 = tpu.memref_squeeze %parallel_loop3A_226 : memref<1x128x128xf32, #tpu.memory_space<vmem>> -> memref<128x128xf32, #tpu.memory_space<vmem>>
        %parallel_loop3A_228 = arith.index_cast %parallel_loop3A_133 : i32 to index
        %parallel_loop3A_229 = arith.constant 96 : index
        %parallel_loop3A_230 = tpu.vector_load %parallel_loop3A_227[%parallel_loop3A_228, %parallel_loop3A_229] {strides = array<i32>} : memref<128x128xf32, #tpu.memory_space<vmem>>, vector<16xf32>,
        %parallel_loop3A_231 = arith.constant 0 : i32
        %parallel_loop3A_232 = arith.constant 0 : i32
        %parallel_loop3A_233 = tpu.memref_slice %arg13[%rem3A_89, %parallel_loop3A_231, %parallel_loop3A_232] : memref<2x128x128xf32, #tpu.memory_space<vmem>> -> memref<1x128x128xf32, #tpu.memory_space<vmem>>
        %parallel_loop3A_234 = tpu.memref_squeeze %parallel_loop3A_233 : memref<1x128x128xf32, #tpu.memory_space<vmem>> -> memref<128x128xf32, #tpu.memory_space<vmem>>
        %parallel_loop3A_235 = arith.index_cast %parallel_loop3A_133 : i32 to index
        %parallel_loop3A_236 = arith.constant 96 : index
        %parallel_loop3A_237 = tpu.vector_load %parallel_loop3A_234[%parallel_loop3A_235, %parallel_loop3A_236] {strides = array<i32>} : memref<128x128xf32, #tpu.memory_space<vmem>>, vector<16xf32>,
        %parallel_loop3A_238 = arith.mulf %parallel_loop3A_230, %parallel_loop3A_237 : vector<16xf32>
        %parallel_loop3A_239 = arith.constant 0 : i32
        %parallel_loop3A_240 = arith.constant 0 : i32
        %parallel_loop3A_241 = tpu.memref_slice %arg12[%rem3A_89, %parallel_loop3A_239, %parallel_loop3A_240] : memref<2x128x128xf32, #tpu.memory_space<vmem>> -> memref<1x128x128xf32, #tpu.memory_space<vmem>>
        %parallel_loop3A_242 = tpu.memref_squeeze %parallel_loop3A_241 : memref<1x128x128xf32, #tpu.memory_space<vmem>> -> memref<128x128xf32, #tpu.memory_space<vmem>>
        %parallel_loop3A_243 = arith.index_cast %parallel_loop3A_133 : i32 to index
        %parallel_loop3A_244 = arith.constant 112 : index
        %parallel_loop3A_245 = tpu.vector_load %parallel_loop3A_242[%parallel_loop3A_243, %parallel_loop3A_244] {strides = array<i32>} : memref<128x128xf32, #tpu.memory_space<vmem>>, vector<16xf32>,
        %parallel_loop3A_246 = arith.constant 0 : i32
        %parallel_loop3A_247 = arith.constant 0 : i32
        %parallel_loop3A_248 = tpu.memref_slice %arg13[%rem3A_89, %parallel_loop3A_246, %parallel_loop3A_247] : memref<2x128x128xf32, #tpu.memory_space<vmem>> -> memref<1x128x128xf32, #tpu.memory_space<vmem>>
        %parallel_loop3A_249 = tpu.memref_squeeze %parallel_loop3A_248 : memref<1x128x128xf32, #tpu.memory_space<vmem>> -> memref<128x128xf32, #tpu.memory_space<vmem>>
        %parallel_loop3A_250 = arith.index_cast %parallel_loop3A_133 : i32 to index
        %parallel_loop3A_251 = arith.constant 112 : index
        %parallel_loop3A_252 = tpu.vector_load %parallel_loop3A_249[%parallel_loop3A_250, %parallel_loop3A_251] {strides = array<i32>} : memref<128x128xf32, #tpu.memory_space<vmem>>, vector<16xf32>,
        %parallel_loop3A_253 = arith.mulf %parallel_loop3A_245, %parallel_loop3A_252 : vector<16xf32>
        %parallel_loop3A_254 = arith.addf %parallel_loop3A_148, %parallel_loop3A_163 : vector<16xf32>
        %parallel_loop3A_255 = arith.addf %parallel_loop3A_178, %parallel_loop3A_193 : vector<16xf32>
        %parallel_loop3A_256 = arith.addf %parallel_loop3A_254, %parallel_loop3A_255 : vector<16xf32>
        %parallel_loop3A_257 = arith.addf %parallel_loop3A_208, %parallel_loop3A_223 : vector<16xf32>
        %parallel_loop3A_258 = arith.addf %parallel_loop3A_238, %parallel_loop3A_253 : vector<16xf32>
        %parallel_loop3A_259 = arith.addf %parallel_loop3A_257, %parallel_loop3A_258 : vector<16xf32>
        %parallel_loop3A_260 = arith.addf %parallel_loop3A_256, %parallel_loop3A_259 : vector<16xf32>
        %parallel_loop3A_261 = arith.constant true
        %parallel_loop3A_262 = vector.broadcast %parallel_loop3A_261 : i1 to vector<16xi1>
        %parallel_loop3A_263 = tpu.scan <sum>, %parallel_loop3A_260 masked %parallel_loop3A_262 : vector<16xf32>, vector<16xi1> -> vector<16xf32>
        %parallel_loop3A_264 = arith.constant 128 : i32
        %parallel_loop3A_265 = arith.muli %add3A_88, %parallel_loop3A_264 : i32
        %parallel_loop3A_266 = arith.addi %parallel_loop3A_265, %parallel_loop3A_133 : i32
        %parallel_loop3A_267 = arith.index_cast %parallel_loop3A_266 : i32 to index
        %parallel_loop3A_268 = tpu.vector_load %arg17[%parallel_loop3A_267] masked %eq3A_35 {strides = array<i32>} : memref<528xf32, #tpu.memory_space<vmem>>, vector<16xf32>, vector<16xi1>
        tpu.vector_store %arg17[%parallel_loop3A_267], %parallel_loop3A_263 masked %eq3A_35 {strides = array<i32>} : memref<528xf32, #tpu.memory_space<vmem>>, vector<16xf32>, vector<16xi1>
      } {sc.loop_unroll_factor = 4 : i64, sc.parallel_access}
      %dma_wait3A_114 = arith.constant 0 : i32
      %dma_wait3A_115 = tpu.memref_slice %arg14[%rem3A_89, %dma_wait3A_114] : memref<2x128xf32, #tpu.memory_space<vmem>> -> memref<1x128xf32, #tpu.memory_space<vmem>>
      %dma_wait3A_116 = tpu.memref_squeeze %dma_wait3A_115 : memref<1x128xf32, #tpu.memory_space<vmem>> -> memref<128xf32, #tpu.memory_space<vmem>>
      %dma_wait3A_117 = arith.constant 0 : i32
      %dma_wait3A_118 = tpu.memref_slice %arg10[%add3A_88, %dma_wait3A_117] : memref<4x128xi32, #tpu.memory_space<vmem>> -> memref<1x128xi32, #tpu.memory_space<vmem>>
      %dma_wait3A_119 = tpu.memref_squeeze %dma_wait3A_118 : memref<1x128xi32, #tpu.memory_space<vmem>> -> memref<128xi32, #tpu.memory_space<vmem>>
      %dma_wait3A_120 = arith.constant 0 : i32
      %dma_wait3A_121 = tpu.memref_slice %arg6[%dma_wait3A_120] : memref<100000xf32, #tpu.memory_space<hbm>> -> memref<100000xf32, #tpu.memory_space<hbm>>
      tpu.wait_indirect_dma semaphore(%arg22 : memref<!tpu.dma_semaphore, #tpu.memory_space<semaphore_mem>>) src(%dma_wait3A_121 : memref<100000xf32, #tpu.memory_space<hbm>>) dst(%dma_wait3A_116 : memref<128xf32, #tpu.memory_space<vmem>>)
      %dma_wait3A_122 = arith.constant 0 : i32
      %dma_wait3A_123 = tpu.memref_slice %arg15[%rem3A_89, %dma_wait3A_122] : memref<2x128xf32, #tpu.memory_space<vmem>> -> memref<1x128xf32, #tpu.memory_space<vmem>>
      %dma_wait3A_124 = tpu.memref_squeeze %dma_wait3A_123 : memref<1x128xf32, #tpu.memory_space<vmem>> -> memref<128xf32, #tpu.memory_space<vmem>>
      %dma_wait3A_125 = arith.constant 0 : i32
      %dma_wait3A_126 = tpu.memref_slice %arg11[%add3A_88, %dma_wait3A_125] : memref<4x128xi32, #tpu.memory_space<vmem>> -> memref<1x128xi32, #tpu.memory_space<vmem>>
      %dma_wait3A_127 = tpu.memref_squeeze %dma_wait3A_126 : memref<1x128xi32, #tpu.memory_space<vmem>> -> memref<128xi32, #tpu.memory_space<vmem>>
      %dma_wait3A_128 = arith.constant 0 : i32
      %dma_wait3A_129 = tpu.memref_slice %arg7[%dma_wait3A_128] : memref<100000xf32, #tpu.memory_space<hbm>> -> memref<100000xf32, #tpu.memory_space<hbm>>
      tpu.wait_indirect_dma semaphore(%arg23 : memref<!tpu.dma_semaphore, #tpu.memory_space<semaphore_mem>>) src(%dma_wait3A_129 : memref<100000xf32, #tpu.memory_space<hbm>>) dst(%dma_wait3A_124 : memref<128xf32, #tpu.memory_space<vmem>>)
      %parallel_loop3A_130 = arith.constant 0 : i32
      %parallel_loop3A_131 = arith.constant 8 : i32
      %parallel_loop3A_132 = arith.constant 1 : i32
      scf.for %parallel_loop3A_133 = %parallel_loop3A_130 to %parallel_loop3A_131 step %parallel_loop3A_132  : i32 {
        %parallel_loop3A_134 = arith.constant 128 : i32
        %parallel_loop3A_135 = arith.muli %add3A_88, %parallel_loop3A_134 : i32
        %parallel_loop3A_136 = arith.constant 16 : i32
        %parallel_loop3A_137 = arith.muli %parallel_loop3A_133, %parallel_loop3A_136 : i32
        %parallel_loop3A_138 = arith.addi %parallel_loop3A_135, %parallel_loop3A_137 : i32
        %parallel_loop3A_139 = arith.index_cast %parallel_loop3A_138 : i32 to index
        %parallel_loop3A_140 = tpu.vector_load %arg17[%parallel_loop3A_139] {strides = array<i32>} : memref<528xf32, #tpu.memory_space<vmem>>, vector<16xf32>,
        %parallel_loop3A_141 = arith.addf %parallel_loop3A_140, %gather3A : vector<16xf32>
        %parallel_loop3A_142 = arith.constant 16 : i32
        %parallel_loop3A_143 = arith.muli %parallel_loop3A_133, %parallel_loop3A_142 : i32
        %parallel_loop3A_144 = arith.index_cast %rem3A_89 : i32 to index
        %parallel_loop3A_145 = arith.index_cast %parallel_loop3A_143 : i32 to index
        %parallel_loop3A_146 = tpu.vector_load %arg14[%parallel_loop3A_144, %parallel_loop3A_145] {strides = array<i32>} : memref<2x128xf32, #tpu.memory_space<vmem>>, vector<16xf32>,
        %parallel_loop3A_147 = arith.addf %parallel_loop3A_141, %parallel_loop3A_146 : vector<16xf32>
        %parallel_loop3A_148 = arith.constant 16 : i32
        %parallel_loop3A_149 = arith.muli %parallel_loop3A_133, %parallel_loop3A_148 : i32
        %parallel_loop3A_150 = arith.index_cast %rem3A_89 : i32 to index
        %parallel_loop3A_151 = arith.index_cast %parallel_loop3A_149 : i32 to index
        %parallel_loop3A_152 = tpu.vector_load %arg15[%parallel_loop3A_150, %parallel_loop3A_151] {strides = array<i32>} : memref<2x128xf32, #tpu.memory_space<vmem>>, vector<16xf32>,
        %parallel_loop3A_153 = arith.addf %parallel_loop3A_147, %parallel_loop3A_152 : vector<16xf32>
        %parallel_loop3A_154 = arith.index_cast %parallel_loop3A_138 : i32 to index
        %parallel_loop3A_155 = tpu.vector_load %arg17[%parallel_loop3A_154] {strides = array<i32>} : memref<528xf32, #tpu.memory_space<vmem>>, vector<16xf32>,
        tpu.vector_store %arg17[%parallel_loop3A_154], %parallel_loop3A_153 {strides = array<i32>} : memref<528xf32, #tpu.memory_space<vmem>>, vector<16xf32>,
      } {sc.loop_unroll_factor = 1 : i64, sc.parallel_access}
    }
    %scan3A_83 = arith.constant 4 : i32
    "tpu.region"() ({
      %run_scoped3A = tpu.sem_alloc : memref<!tpu.dma_semaphore, #tpu.memory_space<semaphore_mem>>
      %dma_start3A_84 = arith.constant 0 : i32
      %dma_start3A_85 = tpu.memref_slice %arg17[%dma_start3A_84] : memref<528xf32, #tpu.memory_space<vmem>> -> memref<512xf32, #tpu.memory_space<vmem>>
      %dma_start3A_86 = tpu.memref_slice %arg9[%mul3A_2] : memref<16384xf32, #tpu.memory_space<hbm>> -> memref<512xf32, #tpu.memory_space<hbm>>
      %dma_start3A_87 = tpu.memref_slice %arg9[%mul3A_2] : memref<16384xf32, #tpu.memory_space<hbm>> -> memref<512xf32, #tpu.memory_space<hbm>>
      %dma_start3A_88 = arith.constant 0 : i32
      %dma_start3A_89 = tpu.memref_slice %arg17[%dma_start3A_88] : memref<528xf32, #tpu.memory_space<vmem>> -> memref<512xf32, #tpu.memory_space<vmem>>
      tpu.enqueue_dma source(%dma_start3A_89 : memref<512xf32, #tpu.memory_space<vmem>>) target(%dma_start3A_87 : memref<512xf32, #tpu.memory_space<hbm>>) target_semaphore(%run_scoped3A : memref<!tpu.dma_semaphore, #tpu.memory_space<semaphore_mem>>)
      %dma_wait3A_90 = arith.constant 0 : i32
      %dma_wait3A_91 = tpu.memref_slice %arg17[%dma_wait3A_90] : memref<528xf32, #tpu.memory_space<vmem>> -> memref<512xf32, #tpu.memory_space<vmem>>
      %dma_wait3A_92 = tpu.memref_slice %arg9[%mul3A_2] : memref<16384xf32, #tpu.memory_space<hbm>> -> memref<512xf32, #tpu.memory_space<hbm>>
      %dma_wait3A_93 = tpu.memref_slice %arg9[%mul3A_2] : memref<16384xf32, #tpu.memory_space<hbm>> -> memref<512xf32, #tpu.memory_space<hbm>>
      %dma_wait3A_94 = arith.constant 0 : i32
      %dma_wait3A_95 = tpu.memref_slice %arg17[%dma_wait3A_94] : memref<528xf32, #tpu.memory_space<vmem>> -> memref<512xf32, #tpu.memory_space<vmem>>
      tpu.wait_dma2 semaphore(%run_scoped3A : memref<!tpu.dma_semaphore, #tpu.memory_space<semaphore_mem>>) src(%dma_wait3A_95 : memref<512xf32, #tpu.memory_space<vmem>>) dst(%dma_wait3A_93 : memref<512xf32, #tpu.memory_space<hbm>>)
      tpu.yield
    }) : () -> ()
    return
  }
}

</mosaic_0001>

<sc_bundles>
// kernel: mf_kernel.3.cloned.1.call-start
scs
__scs_entry_jumppad:
0x0: {  	(pc) =	sbr.rel $0x88, $3  }
0x1: {  	(tag) =	ssettag $0x0;
	lr =	simm.s32 $0x1  }
0x2: {  	[smem:$0x3F9A] =	sst lr;
	_ =	strace $0xD0000000  }
0x3: {  	_ = 	snop  }
0x4: {  	_ = 	snop  }
0x5: {  	_ = 	snop  }
0x6: {  	_ = 	snop  }
0x7: {  	_ = 	snop  }
__scs_overlays_trampoline_lowered:
0x8: {  	[smem:$0x3FA9] =	sst s0  }
0x9: {  	[smem:$0x3FAA] =	sst s1  }
0xa: {  	[smem:$0x3FAB] =	sst s2  }
0xb: {  	[smem:$0x3FAC] =	sst s3  }
0xc: {  	[smem:$0x3FAD] =	sst s4  }
0xd: {  	[smem:$0x3FAE] =	sst s5  }
0xe: {  	[smem:$0x3FAF] =	sst s6  }
0xf: {  	[smem:$0x3FB0] =	sst s7  }
0x10: {  	[smem:$0x3FB1] =	sst s8  }
0x11: {  	[smem:$0x3FB2] =	sst s9;
	s0 =	simm.s32 @!p0 $0x0  }
0x12: {  	s1 =	sld [smem:$0x3F98];
	s0 =	simm.s32 @p0 $0x1  }
0x13: {  	[smem:$0x3FB3] =	sst s0;
	s0 =	simm.s32 @!p1 $0x0  }
0x14: {  	s2 =	sld [smem:$0x3F97];
	s0 =	simm.s32 @p1 $0x1  }
0x15: {  	[smem:$0x3FB4] =	sst s0;
	s0 =	simm.s32 @!p2 $0x0  }
0x16: {  	s3 =	sld [smem:$0x3FDB];
	s0 =	simm.s32 @p2 $0x1  }
0x17: {  	s4 =	simm.s32 $0x1BF5;
	[smem:$0x3FB6] =	sst s0  }
0x18: {  	s0 =	sld [smem:$0x3F99];
	_ =	swait.ge [sflag:s4], $0x0  }
0x19: {  	s7 =	sld [smem:$0x3F9A]  }
0x1a: {  	s8 =	sadd.s32 $0xFFFFE003, lr  }
0x1b: {  	s9 =	sadd.s32 $0xFFFFFEF7, lr;
	s5 =	simm.s32 $0xFFFFFFFF;
	p2 =	slt.u32 s8, $0xFFFFF086  }
0x1c: {  	p1 =	slt.u32 s9, $0xF7A;
	s5 =	simm.s32 @!p2 $0x0  }
0x1d: {  	s5 =	simm.s32 @p1 $0x1;
	p0 =	seq.s32 s7, s2  }
0x1e: {  	s7 =	smul.u32 @!p0 $0xF7A, s2;
	p2 =	seq.s32 @!p0 s5, $0x0  }
0x1f: {  	s9 =	smul.u32 $0xF7A, s1;
	s8 =	simm.s32 @!p0 $0x1BF5;
	p2 =	por !p2, p0  }
0x20: {  	[sflag:s8] =	ssyncset.s32 @!p0 $0xFFFFF086;
	s6 =	sadd.s32 @!p0 s3, s7;
	s7 =	simm.s32 @!p0 $0x108  }
0x21: {  	s3 =	sadd.s32 s3, s9;
	s6 =	sadd.s32 @!p0 $0x88, s6;
	s7 =	simm.s32 @p2 $0x1082  }
0x22: {  	[simem:s7], [sflag:s8] =	dma.local @!p0 [hbm:s6], $0xF7A  }
0x23: {  	s9 =	sor.u32 $0xD0000000, s2;
	s6 =	simm.s32 $0x108;
	_ =	swait.ge @!p0 [sflag:s8], $0x0  }
0x24: {  	s3 =	sadd.s32 $0x88, s3;
	s6 =	simm.s32 @!p1 $0x1082;
	[sflag:s4] =	ssyncset.s32 $0xFFFFF086  }
0x25: {  	[simem:s6], [sflag:s4] =	dma.local [hbm:s3], $0xF7A  }
0x26: {  	[smem:$0x3F9A] =	sst s1;
	(tag) =	ssettag s2;
	_ =	strace s9  }
0x27: {  	s1 =	sld [smem:$0x3FAA]  }
0x28: {  	s2 =	sld [smem:$0x3FAB]  }
0x29: {  	s4 =	sld [smem:$0x3FAD]  }
0x2a: {  	p0 =	seq.s32 s5, $0x0;
	s5 =	sld [smem:$0x3FAE]  }
0x2b: {  	s6 =	sld [smem:$0x3FAF]  }
0x2c: {  	s7 =	sld [smem:$0x3FB0]  }
0x2d: {  	s3 =	simm.s32 $0x108;
	s8 =	sld [smem:$0x3FB1]  }
0x2e: {  	s3 =	simm.s32 @!p0 $0x1082;
	s9 =	sld [smem:$0x3FB2]  }
0x2f: {  	lr =	sadd.s32 s0, s3;
	s0 =	sld [smem:$0x3FA9]  }
0x30: {  	s3 =	sld [smem:$0x3FAC]  }
0x31: {  	[smem:$0x3FB5] =	sst s10  }
0x32: {  	s10 =	sld [smem:$0x3FB3];
	_ =	sdelay $0x3  }
0x33: {  	p0 =	seq.s32 s10, $0x1;
	s10 =	sld [smem:$0x3FB5];
	_ =	sdelay $0x3  }
0x34: {  	[smem:$0x3FB5] =	sst s10  }
0x35: {  	s10 =	sld [smem:$0x3FB4];
	_ =	sdelay $0x3  }
0x36: {  	p1 =	seq.s32 s10, $0x1;
	s10 =	sld [smem:$0x3FB5];
	_ =	sdelay $0x3  }
0x37: {  	[smem:$0x3FB5] =	sst s10  }
0x38: {  	s10 =	sld [smem:$0x3FB6]  }
0x39: {  	_ = 	snop;
	(pc) =	sbr.ind lr, $3  }
0x3a: {  	_ = 	snop  }
0x3b: {  	_ = 	snop  }
0x3c: {  	p2 =	seq.s32 s10, $0x1;
	s10 =	sld [smem:$0x3FB5]  }
0x3d: {  	_ =	shalt  }
0x3e: {  	_ =	shalt  }
0x3f: {  	_ =	shalt  }
0x40: {  	_ =	shalt  }
0x41: {  	_ =	shalt  }
0x42: {  	_ =	shalt  }
0x43: {  	_ =	shalt  }
0x44: {  	_ =	shalt  }
0x45: {  	_ =	shalt  }
0x46: {  	_ =	shalt  }
0x47: {  	_ =	shalt  }
0x48: {  	_ =	shalt  }
0x49: {  	_ =	shalt  }
0x4a: {  	_ =	shalt  }
0x4b: {  	_ =	shalt  }
0x4c: {  	_ =	shalt  }
0x4d: {  	_ =	shalt  }
0x4e: {  	_ =	shalt  }
0x4f: {  	_ =	shalt  }
0x50: {  	_ =	shalt  }
0x51: {  	_ =	shalt  }
0x52: {  	_ =	shalt  }
0x53: {  	_ =	shalt  }
0x54: {  	_ =	shalt  }
0x55: {  	_ =	shalt  }
0x56: {  	_ =	shalt  }
0x57: {  	_ =	shalt  }
0x58: {  	_ =	shalt  }
0x59: {  	_ =	shalt  }
0x5a: {  	_ =	shalt  }
0x5b: {  	_ =	shalt  }
0x5c: {  	_ =	shalt  }
0x5d: {  	_ =	shalt  }
0x5e: {  	_ =	shalt  }
0x5f: {  	_ =	shalt  }
0x60: {  	_ =	shalt  }
0x61: {  	_ =	shalt  }
0x62: {  	_ =	shalt  }
0x63: {  	_ =	shalt  }
0x64: {  	_ =	shalt  }
0x65: {  	_ =	shalt  }
0x66: {  	_ =	shalt  }
0x67: {  	_ =	shalt  }
0x68: {  	_ =	shalt  }
0x69: {  	_ =	shalt  }
0x6a: {  	_ =	shalt  }
0x6b: {  	_ =	shalt  }
0x6c: {  	_ =	shalt  }
0x6d: {  	_ =	shalt  }
0x6e: {  	_ =	shalt  }
0x6f: {  	_ =	shalt  }
0x70: {  	_ =	shalt  }
0x71: {  	_ =	shalt  }
0x72: {  	_ =	shalt  }
0x73: {  	_ =	shalt  }
0x74: {  	_ =	shalt  }
0x75: {  	_ =	shalt  }
0x76: {  	_ =	shalt  }
0x77: {  	_ =	shalt  }
0x78: {  	_ =	shalt  }
0x79: {  	_ =	shalt  }
0x7a: {  	_ =	shalt  }
0x7b: {  	_ =	shalt  }
0x7c: {  	_ =	shalt  }
0x7d: {  	_ =	shalt  }
0x7e: {  	_ =	shalt  }
0x7f: {  	_ =	shalt  }
0x80: {  	_ =	shalt  }
0x81: {  	_ =	shalt  }
0x82: {  	_ =	shalt  }
0x83: {  	_ =	shalt  }
0x84: {  	_ =	shalt  }
0x85: {  	_ =	shalt  }
0x86: {  	_ =	shalt  }
0x87: {  	_ =	shalt  }
.Lfunc_end0:
.L_simem_size_0:
called_computation_lowered:
.L_overlay_start_0:
0x88: {  	s2 =	sld [smem:$0x3FD9]  }
0x89: {  	s3 =	sld [smem:$0x3FFE];
	_ =	sdelay $0x1  }
0x8a: {  	s1 =	srdreg.scid  }
0x8b: {  	s0 =	sand.u32 $0x1, s1  }
0x8c: {  	s18 =	sshll.u32 s0, $0xA;
	s2 =	sadd.s32 s3, s2  }
0x8d: {  	s2 =	sadd.s32 s2, s18  }
0x8e: {  	[smem:$0x3FC1] =	sst s2  }
0x8f: {  	_ = 	snop  }
0x90: {  	s2 =	sld [smem:$0x3FC9]  }
0x91: {  	s19 =	sld [smem:$0x3FC8]  }
0x92: {  	s4 =	sld [smem:$0x3FC7]  }
0x93: {  	s5 =	sld [smem:$0x3FC6]  }
0x94: {  	s6 =	sld [smem:$0x3FC5]  }
0x95: {  	s7 =	sld [smem:$0x3FC4]  }
0x96: {  	s8 =	sld [smem:$0x3FC3]  }
0x97: {  	s9 =	sld [smem:$0x3FD0];
	(tm) =	ssettm $0x1  }
0x98: {  	s10 =	sld [smem:$0x3FFB];
	_ =	sdelay $0x3  }
0x99: {  	_ =	strace s10  }
0x9a: {  	s10 =	sld [smem:$0x3FFC];
	_ =	sdelay $0x3  }
0x9b: {  	_ =	strace s10  }
0x9c: {  	s10 =	sld [smem:$0x3FFD];
	_ =	sdelay $0x3  }
0x9d: {  	_ =	strace s10  }
0x9e: {  	_ =	strace $0x8FFFFFFF  }
0x9f: {  	s20 =	sld [smem:$0x3FDB];
	_ =	sdelay $0x1  }
0xa0: {  	s11 =	simm.s32 $_scs_section_size  }
0xa1: {  	s12 =	simm.s32 $_size__tile_overlayer_lowered;
	s13 =	simm.s32 $_tile_overlayer_lowered  }
0xa2: {  	s23 =	simm.s32 $0x1BFF;
	s22 =	sshll.u32 s13, $0x1;
	s10 =	sadd.s32 s11, s20  }
0xa3: {  	s14 =	simm.s32 $0x0;
	s21 =	sshll.u32 s12, $0x1;
	s12 =	sadd.s32 s22, s10  }
0xa4: {  	[timem:s14], [sflag:s23] =	dma.local [hbm:s12], s21  }
0xa5: {  	_ =	swait.ge [sflag:s23], s21  }
0xa6: {  	s11 =	ssub.s32 $0x0, s21;
	[sflag:s23] =	ssyncset.done $0x0  }
0xa7: {  	[sflag:s23] =	ssyncadd.s32 s11;
	_ =	sdelay $0x1  }
0xa8: {  	s24 =	simm.s32 $0x1B8B  }
0xa9: {  	_ =	swait.ge [sflag:s24], $0x1  }
0xaa: {  	[sflag:s24] =	ssyncset.done $0x0  }
0xab: {  	s25 =	simm.s32 $0x1B8E;
	[sflag:s24] =	ssyncadd.s32 $0xFFFFFFFF  }
0xac: {  	s26 =	simm.s32 $execute0_lowered;
	[smem:$0x3FD2] =	sst s25  }
0xad: {  	s11 =	sshll.u32 s26, $0x1;
	_ =	strace $0x80000046;
	[dreg:$0x1] =	wrdreg $0xFFFFFFFF  }
0xae: {  	s28 =	simm.s32 $_size_execute0_lowered;
	s10 =	sadd.s32 s10, s11;
	[dreg:$0x0] =	wrdreg $0x0  }
0xaf: {  	s11 =	sshll.u32 s28, $0x1;
	[dreg:$0x2] =	wrdreg s10  }
0xb0: {  	[dreg:$0x3] =	wrdreg s11  }
0xb1: {  	[dreg:$0x4] =	wrdreg $0xC0  }
0xb2: {  	_ =	task [dreg:s14], $0x5FFFF  }
0xb3: {  	[dreg:$0x1] =	wrdreg $0xFFFFFFFF  }
0xb4: {  	[dreg:$0x0] =	wrdreg $0x60  }
0xb5: {  	[dreg:$0x2] =	wrdreg s2  }
0xb6: {  	[dreg:$0x3] =	wrdreg s19  }
0xb7: {  	[dreg:$0x4] =	wrdreg s4  }
0xb8: {  	[dreg:$0x5] =	wrdreg s5  }
0xb9: {  	[dreg:$0x6] =	wrdreg s6  }
0xba: {  	[dreg:$0x7] =	wrdreg s7  }
0xbb: {  	[dreg:$0x8] =	wrdreg s8  }
0xbc: {  	[dreg:$0x9] =	wrdreg s9  }
0xbd: {  	[dreg:$0xa] =	wrdreg $0x9  }
0xbe: {  	_ =	task.clear_ibuf [dreg:s14], $0xBFFFF;
	_ =	strace $0x90000046  }
0xbf: {  	s29 =	simm.s32 $0x9;
	_ =	strace $0x80000048  }
0xc0: {  	_ =	swait.ge [sflag:s29], $0x1  }
0xc1: {  	[sflag:s29] =	ssyncadd.s32 $0xFFFFFFFF  }
0xc2: {  	_ =	strace $0x90000048  }
0xc3: {  	_ =	sfence  }
0xc4: {  	s30 =	sld [smem:$0x0];
	_ =	sdelay $0x2  }
0xc5: {  	s31 =	sshll.u32 s1, $0xD;
	s1 =	sshrl.u32 s1, $0x2  }
0xc6: {  	s3 =	sand.u32 $0x4000, s31;
	s1 =	sadd.s32 s1, s30  }
0xc7: {  	s0 =	sor.u32 s3, s0;
	s1 =	sshll.u32 s1, $0x11  }
0xc8: {  	s0 =	sor.u32 s1, s0  }
0xc9: {  	s0 =	sadd.s32 $0x8F2B, s0  }
0xca: {  	[sflag:s0] =	ssyncadd.remote.s32 $0x1  }
0xcb: {  	_ =	sfence.sel $0xFFFF  }
0xcc: {  	[dreg:$0x0] =	wrdreg $0xFFFFFFFF;
	(pc) =	sbr.abs _section_cstart, $3  }
0xcd: {  	[dreg:$0x1] =	wrdreg $0xFFFFFFFF  }
0xce: {  	_ =	task.clear_ibuf [dreg:s14], $0x2FFFF;
	_ =	strace $0x9FFFFFFF  }
0xcf: {  	(tm) =	ssettm $0x7FFFFFFF  }
tec
execute0_lowered:
.L_overlay_start_1:
0x0: {  	(tag) =	ssettag $0x1  }
0x1: {  	s0 =	rddreg [dreg:$0x0]  }
0x2: {  	s5 =	rddreg [dreg:$0x1]  }
0x3: {  	s1 =	rddreg [dreg:$0x2]  }
0x4: {  	s2 =	rddreg [dreg:$0x3]  }
0x5: {  	s3 =	rddreg [dreg:$0x4]  }
0x6: {  	s4 =	rddreg [dreg:$0x5]  }
0x7: {  	s6 =	rddreg [dreg:$0x7];
	s7 =	simm.s32 $0x0  }
0x8: {  	s8 =	srdreg.scid;
	s10 =	stileid.u32;
	s12 =	simm.s32 $0x200  }
0x9: {  	s13 =	simm.s32 $0x10600;
	s14 =	simm.s32 $0x1;
	s15 =	simm.s32 $0x2  }
0xa: {  	s16 =	simm.s32 $0x5;
	s17 =	simm.s32 $0x80;
	s22 =	simm.s32 $0x3  }
0xb: {  	s23 =	simm.s32 $0x4;
	s24 =	simm.s32 $0x6;
	s25 =	simm.s32 $0x10680  }
0xc: {  	s26 =	simm.s32 $0x7;
	s28 =	simm.s32 $0x0;
	s8 =	sand.u32 $0x1, s8  }
0xd: {  	s10 =	sshll.u32 s10, $0x7;
	s9 =	ssub.s32 $0x2, s8;
	s8 =	sshll.u32 s8, $0x6  }
0xe: {  	[smem:$0x7FF] =	sst s7;
	s11 =	sshrl.u32 s9, $0x1;
	s10 =	sor.u32 s8, s10  }
0xf: {  	_ =	strace $0x80000047;
	s11 =	ssub.s32 s9, s11;
	s8 =	sadd.s32 s0, s10  }
0x10: {  	vm0 =	vcmask $0x3F3C;
	s9 =	sadd.s32 s5, s10;
	s10 =	sadd.s32 s6, s10;
	s11 =	smax.u32 s11, $0x1  }
.LBB2_1:
0x11: {  	[tilespmem:s7], [sflag:$0x1] =	stream.linear.gather [hbm4b:s8+s7], $0x200, $0x38;
	[tilespmem:$0x10900] =	vst v63  }
0x12: {  	_ = 	snop  }
0x13: {  	[tilespmem:s12], [sflag:$0x2] =	stream.linear.gather [hbm4b:s9+s7], $0x200, $0x38;
	[tilespmem:$0x10900] =	vst v63  }
0x14: {  	s0 =	rddreg [dreg:$0x6]  }
0x15: {  	[tilespmem:s13], [sflag:$0x5] =	stream.linear.gather [hbm4b:s0+s7], $0x80, $0x38;
	[tilespmem:$0x10900] =	vst v63  }
0x16: {  	_ =	swait.ge [sflag:s14], $0x200  }
0x17: {  	[sflag:s14] =	ssyncset.done $0x0  }
0x18: {  	[sflag:s14] =	ssyncadd.s32 $0xFFFFFE00  }
0x19: {  	_ =	swait.ge [sflag:s15], $0x200  }
0x1a: {  	[sflag:s15] =	ssyncset.done $0x0  }
0x1b: {  	[sflag:s15] =	ssyncadd.s32 $0xFFFFFE00  }
0x1c: {  	_ =	swait.ge [sflag:s16], $0x80  }
0x1d: {  	[sflag:s16] =	ssyncset.done $0x0  }
0x1e: {  	s19 =	simm.s32 $0x400;
	[sflag:s16] =	ssyncadd.s32 $0xFFFFFF80  }
0x1f: {  	v0 =	vld.msk [tilespmem:s13+$0x0], $0xffff;
	[tilespmem:s19], [sflag:$0x3] =	stream.indirect.gather [hbm4b:s1+s17], $0x80, s7, s17, $0xb8  }
0x20: {  	s20 =	simm.s32 $0x8400  }
0x21: {  	[tilespmem:s20], [sflag:$0x4] =	stream.indirect.gather [hbm4b:s2+s17], $0x80, s12, s17, $0xb8;
	[tilespmem:$0x10900] =	vst v63  }
0x22: {  	s21 =	simm.s32 $0x10400;
	s29 =	simm.s32 $0x10500;
	s18 =	simm.s32 $0x10683  }
0x23: {  	[tilespmem:s21], [sflag:$0x5] =	stream.indirect.gather [hbm4b:s3+s17], $0x1, s7, s17, $0xb8;
	[tilespmem:$0x10900] =	vst v63  }
0x24: {  	p0 =	por $0x0, $0x0;
	s30 =	simm.s32 $0x10680;
	s31 =	simm.s32 $0x0  }
0x25: {  	[tilespmem:s29], [sflag:$0x6] =	stream.indirect.gather [hbm4b:s4+s17], $0x1, s12, s17, $0xb8;
	[tilespmem:$0x10900] =	vst v63  }
.LBB2_2:
0x26: {  	_ =	swait.ge [sflag:s22], $0x4000  }
0x27: {  	[sflag:s22] =	ssyncset.done $0x0  }
0x28: {  	s0 =	sand.u32 $0x1, s31;
	p1 =	seq.s32 s31, $0x3;
	[sflag:s22] =	ssyncadd.s32 $0xFFFFC000  }
0x29: {  	s0 =	sxor.u32 @!p1 $0x1, s0;
	s19 =	sshll.u32 @!p1 s31, $0x7;
	_ =	swait.ge [sflag:s23], $0x4000  }
0x2a: {  	s29 =	simm.s32 @!p1 $0x80;
	s6 =	sshll.u32 @!p1 s0, $0xE;
	[sflag:s23] =	ssyncset.done $0x0  }
0x2b: {  	s20 =	sadd.s32 @!p1 $0x80, s19;
	s5 =	sor.u32 @!p1 $0x400, s6;
	[sflag:s23] =	ssyncadd.s32 $0xFFFFC000  }
0x2c: {  	[tilespmem:s5], [sflag:$0x3] =	stream.indirect.gather @!p1 [hbm4b:s1+s29], $0x80, s20, s29, $0xb8;
	[tilespmem:$0x10900] =	vst v63  }
0x2d: {  	s19 =	sadd.s32 @!p1 $0x280, s19;
	s5 =	simm.s32 $0x1  }
0x2e: {  	s0 =	sshll.u32 @!p1 s0, $0x7;
	s6 =	sor.u32 @!p1 $0x8400, s6;
	s5 =	simm.s32 @!p0 $0x0  }
0x2f: {  	[tilespmem:s6], [sflag:$0x4] =	stream.indirect.gather @!p1 [hbm4b:s2+s29], $0x80, s19, s29, $0xb8;
	[tilespmem:$0x10900] =	vst v63  }
0x30: {  	s21 =	sor.u32 @!p1 $0x10400, s0;
	s6 =	sshll.u32 s5, $0xE  }
0x31: {  	[tilespmem:s21], [sflag:$0x5] =	stream.indirect.gather @!p1 [hbm4b:s3+s29], $0x1, s20, s29, $0xb8;
	[tilespmem:$0x10900] =	vst v63  }
0x32: {  	s0 =	sor.u32 @!p1 $0x10500, s0;
	s21 =	sor.u32 $0x500, s6  }
0x33: {  	[tilespmem:s0], [sflag:$0x6] =	stream.indirect.gather @!p1 [hbm4b:s4+s29], $0x1, s19, s29, $0xb8;
	[tilespmem:$0x10900] =	vst v63  }
0x34: {  	s0 =	sor.u32 $0x8500, s6;
	v2 =	vld [tilespmem:s21+$0x80]  }
0x35: {  	v3 =	vld [tilespmem:s0+$0x80]  }
0x36: {  	v4 =	vld [tilespmem:s21+$0x90]  }
0x37: {  	v5 =	vld [tilespmem:s0+$0x90]  }
0x38: {  	v6 =	vld [tilespmem:s21+$0xA0]  }
0x39: {  	v7 =	vld [tilespmem:s0+$0xA0]  }
0x3a: {  	v8 =	vld [tilespmem:s21+$0xB0]  }
0x3b: {  	v9 =	vld [tilespmem:s0+$0xB0]  }
0x3c: {  	v10 =	vld [tilespmem:s21+$0xC0]  }
0x3d: {  	v11 =	vld [tilespmem:s0+$0xC0]  }
0x3e: {  	v12 =	vld [tilespmem:s21+$0xD0]  }
0x3f: {  	v13 =	vld [tilespmem:s0+$0xD0]  }
0x40: {  	v14 =	vld [tilespmem:s21+$0xE0]  }
0x41: {  	v15 =	vld [tilespmem:s0+$0xE0]  }
0x42: {  	v16 =	vld [tilespmem:s21+$0xF0]  }
0x43: {  	v17 =	vld [tilespmem:s0+$0xF0]  }
0x44: {  	v1 =	vld [tilespmem:s0+$0xFFFFFF00]  }
0x45: {  	v18 =	vld [tilespmem:s21+$0xFFFFFF10]  }
0x46: {  	v19 =	vld [tilespmem:s0+$0xFFFFFF10]  }
0x47: {  	v20 =	vld [tilespmem:s21+$0xFFFFFF20]  }
0x48: {  	v21 =	vld [tilespmem:s0+$0xFFFFFF20]  }
0x49: {  	v22 =	vld [tilespmem:s21+$0xFFFFFF30]  }
0x4a: {  	v23 =	vld [tilespmem:s0+$0xFFFFFF30]  }
0x4b: {  	v24 =	vld [tilespmem:s21+$0xFFFFFF40]  }
0x4c: {  	v25 =	vld [tilespmem:s0+$0xFFFFFF40]  }
0x4d: {  	v26 =	vld [tilespmem:s21+$0xFFFFFF50]  }
0x4e: {  	v27 =	vld [tilespmem:s0+$0xFFFFFF50]  }
0x4f: {  	v28 =	vld [tilespmem:s21+$0xFFFFFF60]  }
0x50: {  	v29 =	vld [tilespmem:s0+$0xFFFFFF60]  }
0x51: {  	v30 =	vld [tilespmem:s21+$0xFFFFFF70]  }
0x52: {  	v31 =	vld [tilespmem:s0+$0xFFFFFF70]  }
0x53: {  	v32 =	vld [tilespmem:s21+$0xFFFFFF80]  }
0x54: {  	v33 =	vld [tilespmem:s0+$0xFFFFFF80]  }
0x55: {  	v34 =	vld [tilespmem:s21+$0xFFFFFF90]  }
0x56: {  	v35 =	vld [tilespmem:s0+$0xFFFFFF90]  }
0x57: {  	v36 =	vld [tilespmem:s21+$0xFFFFFFA0]  }
0x58: {  	v37 =	vld [tilespmem:s0+$0xFFFFFFA0]  }
0x59: {  	v38 =	vld [tilespmem:s21+$0xFFFFFFB0]  }
0x5a: {  	v40 =	vld [tilespmem:s21+$0xFFFFFFC0];
	v2 =	vmul.f32 v3, v2;
	v3 =	vmul.f32 v5, v4  }
0x5b: {  	v4 =	vld [tilespmem:s0+$0xFFFFFFC0];
	v5 =	vmul.f32 v7, v6;
	v6 =	vmul.f32 v9, v8  }
0x5c: {  	v7 =	vld [tilespmem:s21+$0xFFFFFFD0];
	v8 =	vmul.f32 v11, v10;
	v9 =	vmul.f32 v13, v12  }
0x5d: {  	v10 =	vld [tilespmem:s0+$0xFFFFFFD0];
	v11 =	vmul.f32 v15, v14;
	v12 =	vmul.f32 v17, v16  }
0x5e: {  	v13 =	vld [tilespmem:s21+$0xFFFFFFE0];
	v2 =	vadd.f32 v3, v2;
	v3 =	vadd.f32 v6, v5  }
0x5f: {  	v5 =	vld [tilespmem:s0+$0xFFFFFFE0];
	v6 =	vadd.f32 v9, v8;
	v8 =	vadd.f32 v12, v11  }
0x60: {  	v9 =	vld [tilespmem:s21+$0xFFFFFFF0]  }
0x61: {  	v11 =	vld [tilespmem:s0+$0xFFFFFFF0];
	v2 =	vadd.f32 v3, v2;
	v3 =	vadd.f32 v8, v6  }
0x62: {  	v39 =	vld [tilespmem:s0+$0xFFFFFFB0]  }
0x63: {  	v55 =	vld [tilespmem:s21+$0x20];
	v2 =	vadd.f32 v3, v2  }
0x64: {  	v58 =	vld [tilespmem:s0+$0x20];
	v15 =	vmul.f32 v35, v34;
	v56 =	vmul.f32 v37, v36  }
0x65: {  	v14 =	vld [tilespmem:s0+$0x10];
	v4 =	vmul.f32 v4, v40;
	v7 =	vmul.f32 v10, v7;
	(xrf2) =	vadd.scan.msk.f32 $0xffff, v2  }
0x66: {  	v6 =	vld [tilespmem:s21+$0x0];
	v5 =	vmul.f32 v5, v13;
	v9 =	vmul.f32 v11, v9  }
0x67: {  	v57 =	vmul.f32 v39, v38;
	v8 =	vld [tilespmem:s0+$0x0];
	v2 =	vmul.f32 v33, v32  }
0x68: {  	v3 =	vld [tilespmem:s21+$0x10];
	v4 =	vadd.f32 v7, v4;
	v5 =	vadd.f32 v9, v5  }
0x69: {  	v10 =	vld [tilespmem:s21+$0x30];
	v2 =	vadd.f32 v15, v2;
	v15 =	vadd.f32 v57, v56  }
0x6a: {  	v11 =	vld [tilespmem:s0+$0x30]  }
0x6b: {  	v59 =	vld [tilespmem:s21+$0x40];
	v60 =	vmul.f32 v27, v26;
	v4 =	vadd.f32 v5, v4;
	v2 =	vadd.f32 v15, v2  }
0x6c: {  	v61 =	vld [tilespmem:s0+$0x40];
	v12 =	vmul.f32 v21, v20;
	v13 =	vmul.f32 v25, v24  }
0x6d: {  	v7 =	vmul.f32 v29, v28;
	v3 =	vmul.f32 v14, v3;
	v14 =	vld [tilespmem:s0+$0x50];
	v62 =	vadd.f32 v4, v2  }
0x6e: {  	v9 =	vmul.f32 v31, v30;
	v6 =	vmul.f32 v8, v6;
	v15 =	vld [tilespmem:s21+$0x50]  }
0x6f: {  	v8 =	vmul.f32 v58, v55;
	v5 =	vld [tilespmem:s21+$0x60];
	v10 =	vmul.f32 v11, v10;
	v63, _, _ =	vpop (xrf2);
	(xrf2) =	vadd.scan.msk.f32 $0xffff, v62  }
0x70: {  	v13 =	vadd.f32 v60, v13;
	v9 =	vadd.f32 v9, v7;
	v7 =	vld [tilespmem:s0+$0x60];
	v11 =	vmul.f32 v23, v22  }
0x71: {  	s5 =	sshll.u32 s5, $0x7;
	v6 =	vadd.f32 v3, v6;
	v21 =	vadd.f32 v10, v8;
	v8 =	vld [tilespmem:s21+$0x70]  }
0x72: {  	s20 =	sadd.s32 $0x200, s21;
	s6 =	sor.u32 $0x10500, s5;
	v2 =	vmul.f32 v19, v18;
	v3 =	vadd.f32 v11, v12;
	v4 =	vadd.f32 v9, v13;
	v9 =	vld [tilespmem:s0+$0x70]  }
0x73: {  	s5 =	sor.u32 $0x10400, s5;
	s19 =	simm.s32 $0x0;
	s29 =	smov.u32 s18;
	v10 =	vmul.f32 v61, v59;
	v11 =	vld [tilespmem:s21+$0xFFFFFF00];
	v6 =	vadd.f32 v21, v6;
	v12 =	vmul.f32 v14, v15;
	[tilespmem:s18+$0x0] =	vst.msk vm0, v63  }
.LBB2_3:
0x74: {  	v13 =	vld [tilespmem:s20+$0x80];
	s0 =	sadd.s32 $0x200, s0  }
0x75: {  	v14 =	vld [tilespmem:s0+$0x80];
	v5 =	vmul.f32 v7, v5;
	v7 =	vadd.f32 v12, v10  }
0x76: {  	v10 =	vld [tilespmem:s20+$0x90]  }
0x77: {  	v12 =	vld [tilespmem:s0+$0x90];
	v15 =	vmul.f32 v9, v8  }
0x78: {  	v9 =	vld [tilespmem:s20+$0xA0];
	v1 =	vmul.f32 v1, v11  }
0x79: {  	v11 =	vld [tilespmem:s0+$0xA0];
	v5 =	vadd.f32 v15, v5;
	v8, _, _ =	vpop (xrf2)  }
0x7a: {  	v15 =	vld [tilespmem:s20+$0xB0];
	v1 =	vadd.f32 v2, v1;
	[tilespmem:s29+$0xFFFFFFFE] =	vst.msk vm0, v8  }
0x7b: {  	v2 =	vld [tilespmem:s0+$0xB0];
	v5 =	vadd.f32 v5, v7  }
0x7c: {  	v7 =	vld [tilespmem:s20+$0xC0];
	v1 =	vadd.f32 v3, v1  }
0x7d: {  	v3 =	vld [tilespmem:s0+$0xC0];
	v5 =	vadd.f32 v5, v6  }
0x7e: {  	v6 =	vld [tilespmem:s20+$0xD0];
	v1 =	vadd.f32 v4, v1  }
0x7f: {  	v4 =	vld [tilespmem:s0+$0xD0]  }
0x80: {  	v8 =	vld [tilespmem:s20+$0xE0];
	(xrf2) =	vadd.scan.msk.f32 $0xffff, v1  }
0x81: {  	v16 =	vld [tilespmem:s0+$0xE0]  }
0x82: {  	v17 =	vld [tilespmem:s20+$0xF0]  }
0x83: {  	s19 =	sadd.s32 $0x4, s19;
	v18 =	vld [tilespmem:s0+$0xF0];
	(xrf2) =	vadd.scan.msk.f32 $0xffff, v5  }
0x84: {  	p1 =	slt.u32 s19, $0x7C;
	v1 =	vld [tilespmem:s0+$0xFFFFFF00]  }
0x85: {  	v13 =	vmul.f32 v14, v13;
	v10 =	vmul.f32 v12, v10;
	v5 =	vld [tilespmem:s20+$0xFFFFFF10]  }
0x86: {  	v9 =	vmul.f32 v11, v9;
	v2 =	vmul.f32 v2, v15;
	v12 =	vld [tilespmem:s0+$0xFFFFFF10]  }
0x87: {  	v3 =	vmul.f32 v3, v7;
	v4 =	vmul.f32 v4, v6;
	v11 =	vld [tilespmem:s20+$0xFFFFFF20]  }
0x88: {  	v15 =	vmul.f32 v16, v8;
	v6 =	vld [tilespmem:s0+$0xFFFFFF20];
	v8 =	vmul.f32 v18, v17  }
0x89: {  	v10 =	vadd.f32 v10, v13;
	v9 =	vadd.f32 v2, v9;
	v14 =	vld [tilespmem:s20+$0xFFFFFF30]  }
0x8a: {  	v3 =	vadd.f32 v4, v3;
	v13 =	vld [tilespmem:s0+$0xFFFFFF30];
	v4 =	vadd.f32 v8, v15;
	v7, _, _ =	vpop (xrf2)  }
0x8b: {  	v2 =	vmul.f32 v12, v5;
	v5 =	vld [tilespmem:s20+$0xFFFFFF40];
	[tilespmem:s29+$0xFFFFFFFD] =	vst.msk vm0, v7  }
0x8c: {  	v8 =	vadd.f32 v9, v10;
	v7 =	vld [tilespmem:s0+$0xFFFFFF40];
	v3 =	vadd.f32 v4, v3  }
0x8d: {  	v4 =	vmul.f32 v6, v11;
	v6 =	vld [tilespmem:s20+$0xFFFFFF50];
	v9, _, _ =	vpop (xrf2)  }
0x8e: {  	v10 =	vld [tilespmem:s0+$0xFFFFFF50];
	v3 =	vadd.f32 v3, v8;
	[tilespmem:s29+$0xFFFFFFFF] =	vst.msk vm0, v9  }
0x8f: {  	v8 =	vmul.f32 v13, v14;
	v9 =	vld [tilespmem:s20+$0xFFFFFF60]  }
0x90: {  	v11 =	vld [tilespmem:s0+$0xFFFFFF60];
	(xrf2) =	vadd.scan.msk.f32 $0xffff, v3  }
0x91: {  	v5 =	vmul.f32 v7, v5;
	v7 =	vld [tilespmem:s20+$0xFFFFFF70];
	v3 =	vadd.f32 v8, v4  }
0x92: {  	v4 =	vld [tilespmem:s0+$0xFFFFFF70]  }
0x93: {  	v6 =	vmul.f32 v10, v6;
	v8 =	vld [tilespmem:s20+$0xFFFFFF80]  }
0x94: {  	v10 =	vld [tilespmem:s0+$0xFFFFFF80]  }
0x95: {  	v9 =	vmul.f32 v11, v9;
	v5 =	vadd.f32 v6, v5;
	v6 =	vld [tilespmem:s20+$0xFFFFFF90]  }
0x96: {  	v11 =	vld [tilespmem:s0+$0xFFFFFF90]  }
0x97: {  	v4 =	vmul.f32 v4, v7;
	v7 =	vld [tilespmem:s20+$0xFFFFFFA0]  }
0x98: {  	v12 =	vld [tilespmem:s0+$0xFFFFFFA0]  }
0x99: {  	v4 =	vadd.f32 v4, v9;
	v8 =	vmul.f32 v10, v8;
	v9 =	vld [tilespmem:s20+$0xFFFFFFB0]  }
0x9a: {  	s29 =	sadd.s32 $0x4, s29;
	v10 =	vld [tilespmem:s0+$0xFFFFFFB0];
	v13, _, _ =	vpop (xrf2)  }
0x9b: {  	v4 =	vadd.f32 v4, v5;
	v5 =	vmul.f32 v11, v6;
	v6 =	vld [tilespmem:s20+$0xFFFFFFC0];
	[tilespmem:s29+$0x0] =	vst.msk vm0, v13  }
0x9c: {  	v11 =	vld [tilespmem:s0+$0xFFFFFFC0]  }
0x9d: {  	v7 =	vmul.f32 v12, v7;
	v12 =	vld [tilespmem:s20+$0xFFFFFFD0];
	v5 =	vadd.f32 v5, v8  }
0x9e: {  	v8 =	vld [tilespmem:s0+$0xFFFFFFD0]  }
0x9f: {  	v9 =	vmul.f32 v10, v9;
	v10 =	vld [tilespmem:s20+$0xFFFFFFE0]  }
0xa0: {  	v13 =	vld [tilespmem:s0+$0xFFFFFFE0]  }
0xa1: {  	v6 =	vmul.f32 v11, v6;
	v11 =	vld [tilespmem:s20+$0xFFFFFFF0];
	v7 =	vadd.f32 v9, v7  }
0xa2: {  	v9 =	vld [tilespmem:s0+$0xFFFFFFF0]  }
0xa3: {  	v8 =	vmul.f32 v8, v12;
	v5 =	vadd.f32 v7, v5;
	v7 =	vld [tilespmem:s20+$0x0]  }
0xa4: {  	v12 =	vld [tilespmem:s0+$0x0]  }
0xa5: {  	v10 =	vmul.f32 v13, v10;
	v6 =	vadd.f32 v8, v6;
	v8 =	vld [tilespmem:s20+$0x10]  }
0xa6: {  	v13 =	vld [tilespmem:s0+$0x10]  }
0xa7: {  	v9 =	vmul.f32 v9, v11;
	v11 =	vld [tilespmem:s20+$0x20]  }
0xa8: {  	v14 =	vld [tilespmem:s0+$0x20]  }
0xa9: {  	v9 =	vadd.f32 v9, v10;
	v7 =	vmul.f32 v12, v7;
	v10 =	vld [tilespmem:s20+$0x30]  }
0xaa: {  	v12 =	vld [tilespmem:s0+$0x30]  }
0xab: {  	v6 =	vadd.f32 v9, v6;
	v8 =	vmul.f32 v13, v8;
	v9 =	vld [tilespmem:s20+$0x40]  }
0xac: {  	v13 =	vld [tilespmem:s0+$0x40]  }
0xad: {  	v6 =	vadd.f32 v6, v5;
	v11 =	vmul.f32 v14, v11;
	v14 =	vld [tilespmem:s20+$0x50];
	v15 =	vadd.f32 v8, v7  }
0xae: {  	v16 =	vld [tilespmem:s0+$0x50]  }
.Ltmp0:
0xaf: {  	v12 =	vmul.f32 v12, v10;
	v5 =	vld [tilespmem:s20+$0x60];
	(xrf2) =	vadd.scan.msk.f32 $0xffff, v6;
	(pc) =	sbr.rel @p1 .LBB2_3-.Ltmp0, $4  }
0xb0: {  	v7 =	vld [tilespmem:s0+$0x60]  }
0xb1: {  	v10 =	vmul.f32 v13, v9;
	v8 =	vld [tilespmem:s20+$0x70];
	v6 =	vadd.f32 v12, v11  }
0xb2: {  	v9 =	vld [tilespmem:s0+$0x70]  }
0xb3: {  	v11 =	vld [tilespmem:s20+$0xFFFFFF00];
	v12 =	vmul.f32 v16, v14;
	v6 =	vadd.f32 v6, v15;
	s20 =	sadd.s32 $0x200, s20  }
0xb4: {  	_ =	sdelay $0x3  }
0xb5: {  	v1 =	vmul.f32 v1, v11  }
0xb6: {  	v5 =	vmul.f32 v7, v5;
	v7 =	vmul.f32 v9, v8  }
0xb7: {  	v1 =	vadd.f32 v2, v1  }
0xb8: {  	v5 =	vadd.f32 v7, v5;
	v2 =	vadd.f32 v12, v10  }
0xb9: {  	v1 =	vadd.f32 v3, v1  }
0xba: {  	v2 =	vadd.f32 v5, v2  }
0xbb: {  	v1 =	vadd.f32 v4, v1  }
0xbc: {  	v2 =	vadd.f32 v2, v6  }
0xbd: {  	(xrf2) =	vadd.scan.msk.f32 $0xffff, v1  }
0xbe: {  	(xrf2) =	vadd.scan.msk.f32 $0xffff, v2;
	_ =	sdelay $0x7  }
0xbf: {  	v1, _, _ =	vpop (xrf2)  }
0xc0: {  	[tilespmem:s29+$0xFFFFFFFE] =	vst.msk vm0, v1;
	v1, _, _ =	vpop (xrf2)  }
0xc1: {  	[tilespmem:s29+$0xFFFFFFFD] =	vst.msk vm0, v1;
	v1, _, _ =	vpop (xrf2)  }
0xc2: {  	[tilespmem:s29+$0xFFFFFFFF] =	vst.msk vm0, v1  }
0xc3: {  	_ =	swait.ge [sflag:s16], $0x80  }
0xc4: {  	v1 =	vmov s30;
	[sflag:s16] =	ssyncset.done $0x0  }
0xc5: {  	[sflag:s16] =	ssyncadd.s32 $0xFFFFFF80  }
0xc6: {  	v2 =	vmov s5;
	_ =	swait.ge [sflag:s24], $0x80  }
0xc7: {  	[sflag:s24] =	ssyncset.done $0x0  }
0xc8: {  	s0 =	simm.s32 $0x0;
	v3 =	vmov s6;
	[sflag:s24] =	ssyncadd.s32 $0xFFFFFF80  }
0xc9: {  	v4 =	vld.idx.msk [tilespmem:v1+s0+$0x0 ss:$0x1], $0xffff;
	_ =	sdelay $0x1  }
0xca: {  	v5 =	vld.idx.msk [tilespmem:v2+s0+$0x0 ss:$0x1], $0xffff;
	_ =	sdelay $0x1  }
0xcb: {  	v7 =	vld.idx.msk [tilespmem:v3+s0+$0x0 ss:$0x1], $0xffff  }
0xcc: {  	s5 =	simm.s32 $0x10;
	v6 =	vadd.f32 v4, v0  }
0xcd: {  	v4 =	vld.idx.msk [tilespmem:v1+s5+$0x0 ss:$0x1], $0xffff  }
0xce: {  	v8 =	vadd.f32 v5, v6  }
0xcf: {  	v5 =	vld.idx.msk [tilespmem:v2+s5+$0x0 ss:$0x1], $0xffff  }
0xd0: {  	s6 =	simm.s32 $0x80;
	v6 =	vld.idx.msk [tilespmem:v3+s5+$0x0 ss:$0x1], $0xffff;
	v7 =	vadd.f32 v7, v8  }
.LBB2_5:
0xd1: {  	s19 =	sshra.s32 s6, $0x2;
	p1 =	sne.s32 s6, $0x1C0;
	s6 =	sadd.s32 $0x40, s6  }
.Ltmp1:
0xd2: {  	v8 =	vadd.f32 v4, v0;
	v4 =	vld.idx.msk [tilespmem:v1+s19+$0x0 ss:$0x1], $0xffff;
	[tilespmem:v1+s0+$0x0 ss:$0x1] =	vst.idx.msk $0xffff, v7;
	s0 =	smov.u32 s5;
	s5 =	smov.u32 s19;
	(pc) =	sbr.rel @p1 .LBB2_5-.Ltmp1, $3  }
0xd3: {  	_ = 	snop  }
0xd4: {  	v7 =	vadd.f32 v5, v8;
	v5 =	vld.idx.msk [tilespmem:v2+s5+$0x0 ss:$0x1], $0xffff;
	_ =	sdelay $0x1  }
0xd5: {  	v7 =	vadd.f32 v6, v7;
	v6 =	vld.idx.msk [tilespmem:v3+s5+$0x0 ss:$0x1], $0xffff  }
0xd6: {  	v2 =	vadd.f32 v4, v0;
	s31 =	sadd.s32 $0x1, s31  }
0xd7: {  	p1 =	sne.s32 s31, $0x4  }
.Ltmp2:
0xd8: {  	v2 =	vadd.f32 v5, v2;
	(pc) =	sbr.rel @p1 .LBB2_2-.Ltmp2, $4  }
0xd9: {  	_ = 	snop  }
0xda: {  	v2 =	vadd.f32 v6, v2  }
0xdb: {  	[tilespmem:v1+s0+$0x0 ss:$0x1] =	vst.idx.msk $0xffff, v7  }
0xdc: {  	s18 =	sadd.s32 $0x80, s18;
	p0 =	por !p0, !p0;
	s30 =	sadd.s32 $0x80, s30;
	[tilespmem:v1+s5+$0x0 ss:$0x1] =	vst.idx.msk $0xffff, v2  }
0xdd: {  	s28 =	sadd.s32 $0x1, s28  }
0xde: {  	p0 =	sne.s32 s28, s11  }
.Ltmp3:
0xdf: {  	_ = 	snop;
	(pc) =	sbr.rel @p0 .LBB2_1-.Ltmp3, $4  }
0xe0: {  	[hbm4b:s10+s7] =	stream.linear.scatter [tilespmem:s25], [sflag:$0x7], $0x200, $0x38;
	[tilespmem:$0x10900] =	vst v63  }
0xe1: {  	_ =	swait.ge [sflag:s26], $0x200  }
0xe2: {  	[sflag:s26] =	ssyncset.done $0x0  }
0xe3: {  	[sflag:s26] =	ssyncadd.s32 $0xFFFFFE00  }
0xe4: {  	_ =	sfence.sel $0x180000  }
0xe5: {  	[bflag:$0x0] =	sbarrier.arrive $0xFFFF  }
0xe6: {  	_ =	strace $0x90000047  }
0xe7: {  	s0 =	stileid.u32;
	[bflag:$0x2] =	sbarrier.arrive $0xFFFF  }
0xe8: {  	p0 =	sne.s32 s0, $0x0;
	s0 =	rddreg [dreg:$0x8]  }
0xe9: {  	s0 =	sadd.s32 @!p0 $0x100000, s0  }
0xea: {  	[sflag:s0] =	ssyncadd.tile.s32 @!p0 $0x1;
	_ =	shalt  }
.Lfunc_end2:
_tile_overlayer_lowered:
.L_overlay_start_2:
0xeb: {  	(tag) =	ssettag $0x2  }
0xec: {  	s0 =	rddreg [dreg:$0x0];
	s2 =	stileid.u32  }
0xed: {  	s1 =	rddreg [dreg:$0x1];
	p0 =	sne.s32 s2, $0x0  }
0xee: {  	s3 =	rddreg [dreg:$0x2];
	[bflag:$0x3] =	sbarrier.arrive $0xFFFF;
	s2 =	simm.s32 @!p0 $0x1C07  }
0xef: {  	[timem:s3], [sflag:s2] =	dma.local @!p0 [hbm:s0], s1  }
0xf0: {  	s0 =	simm.s32 @!p0 $0x7  }
0xf1: {  	_ =	swait.ge @!p0 [sflag:s0], s1  }
0xf2: {  	s1 =	ssub.s32 @!p0 $0x0, s1;
	[sflag:s0] =	ssyncset.done @!p0 $0x0  }
0xf3: {  	[sflag:s0] =	ssyncadd.s32 @!p0 s1  }
0xf4: {  	[bflag:$0x3] =	sbarrier.arrive $0xFFFF  }
0xf5: {  	_ =	shalt  }

</sc_bundles>
